<compile_context>
chip_gen: v7x
topology: tpu7x:2x2x1
jax: 0.10.2.dev20260603
libtpu: 0.0.44.dev20260713+nightly
codegen_flags: <defaults>
</compile_context>

<pallas_src>
import functools

import jax
import jax.numpy as jnp
from jax import lax
from jax.experimental import pallas as pl
from jax.experimental.pallas import tpu as pltpu
from jax.experimental.pallas import tpu_sc as plsc

N_NODES = 10000
N_EDGES = 320000
D = 128

NC = 2
NS = 16
NW = NC * NS
CHUNK = 128
N_BLOCKS = N_EDGES // CHUNK
NB_TILE = N_BLOCKS // NW
ROWS_A = 624
N_STEPS = NB_TILE - 2


def _sc_gather_scatter(feature, edges):
    mesh = plsc.VectorSubcoreMesh(core_axis_name="c", subcore_axis_name="s")

    @functools.partial(
        pl.kernel,
        mesh=mesh,
        out_type=jax.ShapeDtypeStruct((NC, N_NODES, D), jnp.float32),
        scratch_types=(
            [pltpu.VMEM((2, CHUNK), jnp.int32)] * 4
            + [pltpu.VMEM((CHUNK, D), jnp.float32)] * 3
            + [pltpu.VMEM_SHARED((N_NODES, D), jnp.float32)]
            + [pltpu.SemaphoreType.DMA] * 11
        ),
    )
    def k(feature_hbm, edge_hbm, out_hbm,
          ib0, ib1, ib2, ib3, rows0, rows1, rows2, acc,
          sb0, sb1, sb2, sb3, sg0, sg1, sg2, ss0, ss1, ss2, sx):
        c = lax.axis_index("c")
        s = lax.axis_index("s")
        wid = s * NC + c
        rbase = s * ROWS_A
        bbase = wid * NB_TILE
        ib = (ib0, ib1, ib2, ib3)
        rows = (rows0, rows1, rows2)
        sb = (sb0, sb1, sb2, sb3)
        sg = (sg0, sg1, sg2)
        ss = (ss0, ss1, ss2)

        def zero_row(i, carry):
            for j in range(D // 16):
                rows0[i, pl.ds(j * 16, 16)] = jnp.zeros((16,), jnp.float32)
            return carry

        lax.fori_loop(0, CHUNK, zero_row, 0)
        for t in range(ROWS_A // CHUNK):
            pltpu.sync_copy(rows0, acc.at[pl.ds(rbase + t * CHUNK, CHUNK)])
        rem = ROWS_A % CHUNK
        pltpu.sync_copy(
            rows0.at[pl.ds(0, rem)],
            acc.at[pl.ds(rbase + (ROWS_A // CHUNK) * CHUNK, rem)])

        @pl.when(s == 0)
        def _():
            pltpu.sync_copy(
                rows0.at[pl.ds(0, N_NODES - NS * ROWS_A)],
                acc.at[pl.ds(NS * ROWS_A, N_NODES - NS * ROWS_A)])

        plsc.subcore_barrier()

        def eslice(blk):
            return edge_hbm.at[:, pl.ds(blk * CHUNK, CHUNK)]

        def idx_wait(q):
            pltpu.make_async_copy(eslice(0), ib[q], sb[q]).wait()

        def scat_wait(r, q):
            pltpu.make_async_copy(rows[r], acc.at[ib[q].at[1]], ss[r]).wait()

        def step(n, r, q, first=False, last2=False):
            if not first:
                scat_wait((r + 2) % 3, (q + 3) % 4)
            if not last2:
                nxt = jnp.minimum(n + 3, NB_TILE - 1) + bbase
                pltpu.async_copy(eslice(nxt), ib[(q + 3) % 4], sb[(q + 3) % 4])
                idx_wait((q + 2) % 4)
                pltpu.async_copy(
                    feature_hbm.at[ib[(q + 2) % 4].at[0]],
                    rows[(r + 2) % 3], sg[(r + 2) % 3])
            pltpu.make_async_copy(
                feature_hbm.at[ib[q].at[0]], rows[r], sg[r]).wait()
            pltpu.async_copy(rows[r], acc.at[ib[q].at[1]], ss[r], add=True)

        pltpu.sync_copy(eslice(bbase), ib0)
        pltpu.sync_copy(eslice(bbase + 1), ib1)
        pltpu.async_copy(feature_hbm.at[ib0.at[0]], rows0, sg0)
        pltpu.async_copy(feature_hbm.at[ib1.at[0]], rows1, sg1)
        pltpu.async_copy(eslice(bbase + 2), ib2, sb2)

        step(0, 0, 0, first=True)
        step(1, 1, 1)
        step(2, 2, 2)
        step(3, 0, 3)

        def body(g, carry):
            for j in range(12):
                step(12 * g + 4 + j, (4 + j) % 3, (4 + j) % 4)
            return carry

        lax.fori_loop(0, (N_STEPS - 4) // 12, body, 0)
        step(NB_TILE - 2, (NB_TILE - 2) % 3, (NB_TILE - 2) % 4, last2=True)
        step(NB_TILE - 1, (NB_TILE - 1) % 3, (NB_TILE - 1) % 4, last2=True)
        scat_wait((NB_TILE - 1) % 3, (NB_TILE - 1) % 4)
        idx_wait((N_STEPS - 1 + 3) % 4)

        @pl.when(wid < 4)
        def _():
            tb = NW * NB_TILE + wid
            pltpu.sync_copy(eslice(tb), ib0)
            pltpu.async_copy(feature_hbm.at[ib0.at[0]], rows0, sx).wait()
            pltpu.sync_copy(rows0, acc.at[ib0.at[1]], add=True)

        plsc.subcore_barrier()

        pltpu.sync_copy(
            acc.at[pl.ds(rbase, ROWS_A)],
            out_hbm.at[c, pl.ds(rbase, ROWS_A)])

        @pl.when(s == 0)
        def _():
            pltpu.sync_copy(
                acc.at[pl.ds(NS * ROWS_A, N_NODES - NS * ROWS_A)],
                out_hbm.at[c, pl.ds(NS * ROWS_A, N_NODES - NS * ROWS_A)])

    return k(feature, edges)


BLK = 2000


def _tc_body(hp_ref, g_ref, be_ref, w_ref, b_ref, o_ref):
    h = hp_ref[0] + hp_ref[1]
    mean = jnp.mean(h, axis=-1, keepdims=True)
    var = jnp.mean((h - mean) ** 2, axis=-1, keepdims=True)
    hn = (h - mean) * lax.rsqrt(var + 1e-5)
    hn = hn * g_ref[...] + be_ref[...]
    o_ref[...] = (
        lax.dot_general(hn, w_ref[...], (((1,), (1,)), ((), ())),
                        preferred_element_type=jnp.float32)
        + b_ref[...]
    )


def _tc_finish(hpart, ln_gamma, ln_beta, W, b):
    grid = N_NODES // BLK
    return pl.pallas_call(
        _tc_body,
        grid=(grid,),
        in_specs=[
            pl.BlockSpec((NC, BLK, D), lambda i: (0, i, 0)),
            pl.BlockSpec((1, D), lambda i: (0, 0)),
            pl.BlockSpec((1, D), lambda i: (0, 0)),
            pl.BlockSpec((D, D), lambda i: (0, 0)),
            pl.BlockSpec((1, D), lambda i: (0, 0)),
        ],
        out_specs=pl.BlockSpec((BLK, D), lambda i: (i, 0)),
        out_shape=jax.ShapeDtypeStruct((N_NODES, D), jnp.float32),
    )(hpart, ln_gamma.reshape(1, D), ln_beta.reshape(1, D), W, b.reshape(1, D))


def kernel(feature, edge_index, ln_gamma, ln_beta, W, b):
    ei = edge_index.astype(jnp.int32)
    hpart = _sc_gather_scatter(feature, ei)
    return _tc_finish(hpart, ln_gamma, ln_beta, W, b)

# --- scband reference (transcript-rebuilt; emitter-appended) ---
"""Pipeline reference for scband-gcnlayer-27779848471367 (READ-ONLY COPY).

The authoritative reference and input builder live on the scoring server;
editing this copy changes nothing except your own understanding.
"""

import jax, jax.numpy as jnp
import numpy as np

N_NODES = 10000
N_EDGES = 320000
D_IN = 128
D_OUT = 128


def setup_inputs(seed: int = 0) -> dict:
    key = jax.random.key(seed)
    k1, k2, k3, k4 = jax.random.split(key, 4)
    feature = jax.random.normal(k1, (N_NODES, D_IN), dtype=jnp.float32)
    edge_index = jax.random.randint(k2, (2, N_EDGES), 0, N_NODES, dtype=jnp.int64)
    # LayerNorm params (ln over in_feats)
    ln_gamma = jnp.ones((D_IN,), dtype=jnp.float32)
    ln_beta = jnp.zeros((D_IN,), dtype=jnp.float32)
    # Linear params: W [out_feats, in_feats], b [out_feats]
    bound = 1.0 / np.sqrt(D_IN)
    W = jax.random.uniform(k3, (D_OUT, D_IN), minval=-bound, maxval=bound, dtype=jnp.float32)
    b = jax.random.uniform(k4, (D_OUT,), minval=-bound, maxval=bound, dtype=jnp.float32)
    return {"feature": feature, "edge_index": edge_index, "ln_gamma": ln_gamma, "ln_beta": ln_beta, "W": W, "b": b}


def reference(feature, edge_index, ln_gamma, ln_beta, W, b):
    # DGL update_all(copy_u('h','m'), sum('m','h')):
    # for each edge (src, dst): h_new[dst] += feature[src]
    src = edge_index[0]
    dst = edge_index[1]
    msgs = jnp.take(feature, src, axis=0)  # gather (SparseCore-friendly)
    h = jax.ops.segment_sum(msgs, dst, num_segments=feature.shape[0])  # scatter-add
    # LayerNorm over feature dim (eps=1e-5, torch default)
    mean = jnp.mean(h, axis=-1, keepdims=True)
    var = jnp.var(h, axis=-1, keepdims=True)
    h = (h - mean) / jnp.sqrt(var + 1e-5)
    h = h * ln_gamma + ln_beta
    # Linear
    out = h @ W.T + b
    return out

if __name__ == "__main__":
    import jax
    _d = setup_inputs()
    print(jax.jit(kernel)(*tuple(_d.values())))

</pallas_src>

<mosaic_0001>
#map = affine_map<(d0, d1) -> (0, 0)>
#map1 = affine_map<(d0, d1) -> (0, 0, 0)>
module attributes {stable_mosaic.version = 14 : i64} {
  func.func @k(%arg0: i32, %arg1: i32, %arg2: memref<10000x128xf32, #tpu.memory_space<hbm>>, %arg3: memref<2x320000xi32, #tpu.memory_space<hbm>>, %arg4: memref<2x10000x128xf32, #tpu.memory_space<hbm>>, %arg5: memref<2x128xi32, #tpu.memory_space<vmem>>, %arg6: memref<2x128xi32, #tpu.memory_space<vmem>>, %arg7: memref<2x128xi32, #tpu.memory_space<vmem>>, %arg8: memref<2x128xi32, #tpu.memory_space<vmem>>, %arg9: memref<128x128xf32, #tpu.memory_space<vmem>>, %arg10: memref<128x128xf32, #tpu.memory_space<vmem>>, %arg11: memref<128x128xf32, #tpu.memory_space<vmem>>, %arg12: memref<10000x128xf32, #tpu.memory_space<vmem_shared>>, %arg13: memref<!tpu.dma_semaphore, #tpu.memory_space<semaphore_mem>>, %arg14: memref<!tpu.dma_semaphore, #tpu.memory_space<semaphore_mem>>, %arg15: memref<!tpu.dma_semaphore, #tpu.memory_space<semaphore_mem>>, %arg16: memref<!tpu.dma_semaphore, #tpu.memory_space<semaphore_mem>>, %arg17: memref<!tpu.dma_semaphore, #tpu.memory_space<semaphore_mem>>, %arg18: memref<!tpu.dma_semaphore, #tpu.memory_space<semaphore_mem>>, %arg19: memref<!tpu.dma_semaphore, #tpu.memory_space<semaphore_mem>>, %arg20: memref<!tpu.dma_semaphore, #tpu.memory_space<semaphore_mem>>, %arg21: memref<!tpu.dma_semaphore, #tpu.memory_space<semaphore_mem>>, %arg22: memref<!tpu.dma_semaphore, #tpu.memory_space<semaphore_mem>>, %arg23: memref<!tpu.dma_semaphore, #tpu.memory_space<semaphore_mem>>) attributes {dimension_semantics = [#tpu.dimension_semantics<core_parallel>, #tpu.dimension_semantics<subcore_parallel>], iteration_bounds = array<i64: 2, 16>, scalar_prefetch = 0 : i64, scratch_operands = 19 : i64, tpu.core_type = #tpu.core_type<sc_vector_subcore>, window_params = [{transform_indices = #map}, {transform_indices = #map}, {transform_indices = #map1}]} {
    %mul3A = arith.constant 2 : i32
    %mul3A_0 = arith.muli %arg1, %mul3A : i32
    %add3A = arith.addi %mul3A_0, %arg0 : i32
    %mul3A_1 = arith.constant 624 : i32
    %mul3A_2 = arith.muli %arg1, %mul3A_1 : i32
    %mul3A_3 = arith.constant 78 : i32
    %mul3A_4 = arith.muli %add3A, %mul3A_3 : i32
    %scan3A = arith.constant 0 : i32
    %scan3A_5 = arith.constant 0 : i32
    %scan3A_6 = arith.constant 128 : i32
    %scan3A_7 = arith.addi %scan3A_5, %scan3A_6 : i32
    %scan3A_8 = arith.constant 1 : i32
    scf.for %scan3A_287 = %scan3A_5 to %scan3A_7 step %scan3A_8  : i32 {
      %broadcast_in_dim3A = arith.constant 0.000000e+00 : f32
      %broadcast_in_dim3A_288 = vector.broadcast %broadcast_in_dim3A : f32 to vector<16xf32>
      %swap3A = arith.index_cast %scan3A_287 : i32 to index
      %swap3A_289 = arith.constant 0 : index
      %swap3A_290 = tpu.vector_load %arg9[%swap3A, %swap3A_289] {strides = array<i32>} : memref<128x128xf32, #tpu.memory_space<vmem>>, vector<1x16xf32>,
      %swap3A_291 = vector.shape_cast %swap3A_290 : vector<1x16xf32> to vector<16xf32>
      %swap3A_292 = vector.shape_cast %broadcast_in_dim3A_288 : vector<16xf32> to vector<1x16xf32>
      tpu.vector_store %arg9[%swap3A, %swap3A_289], %swap3A_292 {strides = array<i32>} : memref<128x128xf32, #tpu.memory_space<vmem>>, vector<1x16xf32>,
      %broadcast_in_dim3A_293 = arith.constant 0.000000e+00 : f32
      %broadcast_in_dim3A_294 = vector.broadcast %broadcast_in_dim3A_293 : f32 to vector<16xf32>
      %swap3A_295 = arith.index_cast %scan3A_287 : i32 to index
      %swap3A_296 = arith.constant 16 : index
      %swap3A_297 = tpu.vector_load %arg9[%swap3A_295, %swap3A_296] {strides = array<i32>} : memref<128x128xf32, #tpu.memory_space<vmem>>, vector<1x16xf32>,
      %swap3A_298 = vector.shape_cast %swap3A_297 : vector<1x16xf32> to vector<16xf32>
      %swap3A_299 = vector.shape_cast %broadcast_in_dim3A_294 : vector<16xf32> to vector<1x16xf32>
      tpu.vector_store %arg9[%swap3A_295, %swap3A_296], %swap3A_299 {strides = array<i32>} : memref<128x128xf32, #tpu.memory_space<vmem>>, vector<1x16xf32>,
      %broadcast_in_dim3A_300 = arith.constant 0.000000e+00 : f32
      %broadcast_in_dim3A_301 = vector.broadcast %broadcast_in_dim3A_300 : f32 to vector<16xf32>
      %swap3A_302 = arith.index_cast %scan3A_287 : i32 to index
      %swap3A_303 = arith.constant 32 : index
      %swap3A_304 = tpu.vector_load %arg9[%swap3A_302, %swap3A_303] {strides = array<i32>} : memref<128x128xf32, #tpu.memory_space<vmem>>, vector<1x16xf32>,
      %swap3A_305 = vector.shape_cast %swap3A_304 : vector<1x16xf32> to vector<16xf32>
      %swap3A_306 = vector.shape_cast %broadcast_in_dim3A_301 : vector<16xf32> to vector<1x16xf32>
      tpu.vector_store %arg9[%swap3A_302, %swap3A_303], %swap3A_306 {strides = array<i32>} : memref<128x128xf32, #tpu.memory_space<vmem>>, vector<1x16xf32>,
      %broadcast_in_dim3A_307 = arith.constant 0.000000e+00 : f32
      %broadcast_in_dim3A_308 = vector.broadcast %broadcast_in_dim3A_307 : f32 to vector<16xf32>
      %swap3A_309 = arith.index_cast %scan3A_287 : i32 to index
      %swap3A_310 = arith.constant 48 : index
      %swap3A_311 = tpu.vector_load %arg9[%swap3A_309, %swap3A_310] {strides = array<i32>} : memref<128x128xf32, #tpu.memory_space<vmem>>, vector<1x16xf32>,
      %swap3A_312 = vector.shape_cast %swap3A_311 : vector<1x16xf32> to vector<16xf32>
      %swap3A_313 = vector.shape_cast %broadcast_in_dim3A_308 : vector<16xf32> to vector<1x16xf32>
      tpu.vector_store %arg9[%swap3A_309, %swap3A_310], %swap3A_313 {strides = array<i32>} : memref<128x128xf32, #tpu.memory_space<vmem>>, vector<1x16xf32>,
      %broadcast_in_dim3A_314 = arith.constant 0.000000e+00 : f32
      %broadcast_in_dim3A_315 = vector.broadcast %broadcast_in_dim3A_314 : f32 to vector<16xf32>
      %swap3A_316 = arith.index_cast %scan3A_287 : i32 to index
      %swap3A_317 = arith.constant 64 : index
      %swap3A_318 = tpu.vector_load %arg9[%swap3A_316, %swap3A_317] {strides = array<i32>} : memref<128x128xf32, #tpu.memory_space<vmem>>, vector<1x16xf32>,
      %swap3A_319 = vector.shape_cast %swap3A_318 : vector<1x16xf32> to vector<16xf32>
      %swap3A_320 = vector.shape_cast %broadcast_in_dim3A_315 : vector<16xf32> to vector<1x16xf32>
      tpu.vector_store %arg9[%swap3A_316, %swap3A_317], %swap3A_320 {strides = array<i32>} : memref<128x128xf32, #tpu.memory_space<vmem>>, vector<1x16xf32>,
      %broadcast_in_dim3A_321 = arith.constant 0.000000e+00 : f32
      %broadcast_in_dim3A_322 = vector.broadcast %broadcast_in_dim3A_321 : f32 to vector<16xf32>
      %swap3A_323 = arith.index_cast %scan3A_287 : i32 to index
      %swap3A_324 = arith.constant 80 : index
      %swap3A_325 = tpu.vector_load %arg9[%swap3A_323, %swap3A_324] {strides = array<i32>} : memref<128x128xf32, #tpu.memory_space<vmem>>, vector<1x16xf32>,
      %swap3A_326 = vector.shape_cast %swap3A_325 : vector<1x16xf32> to vector<16xf32>
      %swap3A_327 = vector.shape_cast %broadcast_in_dim3A_322 : vector<16xf32> to vector<1x16xf32>
      tpu.vector_store %arg9[%swap3A_323, %swap3A_324], %swap3A_327 {strides = array<i32>} : memref<128x128xf32, #tpu.memory_space<vmem>>, vector<1x16xf32>,
      %broadcast_in_dim3A_328 = arith.constant 0.000000e+00 : f32
      %broadcast_in_dim3A_329 = vector.broadcast %broadcast_in_dim3A_328 : f32 to vector<16xf32>
      %swap3A_330 = arith.index_cast %scan3A_287 : i32 to index
      %swap3A_331 = arith.constant 96 : index
      %swap3A_332 = tpu.vector_load %arg9[%swap3A_330, %swap3A_331] {strides = array<i32>} : memref<128x128xf32, #tpu.memory_space<vmem>>, vector<1x16xf32>,
      %swap3A_333 = vector.shape_cast %swap3A_332 : vector<1x16xf32> to vector<16xf32>
      %swap3A_334 = vector.shape_cast %broadcast_in_dim3A_329 : vector<16xf32> to vector<1x16xf32>
      tpu.vector_store %arg9[%swap3A_330, %swap3A_331], %swap3A_334 {strides = array<i32>} : memref<128x128xf32, #tpu.memory_space<vmem>>, vector<1x16xf32>,
      %broadcast_in_dim3A_335 = arith.constant 0.000000e+00 : f32
      %broadcast_in_dim3A_336 = vector.broadcast %broadcast_in_dim3A_335 : f32 to vector<16xf32>
      %swap3A_337 = arith.index_cast %scan3A_287 : i32 to index
      %swap3A_338 = arith.constant 112 : index
      %swap3A_339 = tpu.vector_load %arg9[%swap3A_337, %swap3A_338] {strides = array<i32>} : memref<128x128xf32, #tpu.memory_space<vmem>>, vector<1x16xf32>,
      %swap3A_340 = vector.shape_cast %swap3A_339 : vector<1x16xf32> to vector<16xf32>
      %swap3A_341 = vector.shape_cast %broadcast_in_dim3A_336 : vector<16xf32> to vector<1x16xf32>
      tpu.vector_store %arg9[%swap3A_337, %swap3A_338], %swap3A_341 {strides = array<i32>} : memref<128x128xf32, #tpu.memory_space<vmem>>, vector<1x16xf32>,
    }
    %scan3A_9 = arith.constant 128 : i32
    %add3A_10 = arith.constant 0 : i32
    %add3A_11 = arith.addi %mul3A_2, %add3A_10 : i32
    "tpu.region"() ({
      %run_scoped3A = tpu.sem_alloc : memref<!tpu.dma_semaphore, #tpu.memory_space<semaphore_mem>>
      %dma_start3A_287 = arith.constant 0 : i32
      %dma_start3A_288 = tpu.memref_slice %arg12[%add3A_11, %dma_start3A_287] : memref<10000x128xf32, #tpu.memory_space<vmem_shared>> -> memref<128x128xf32, #tpu.memory_space<vmem_shared>>
      %dma_start3A_289 = arith.constant 0 : i32
      %dma_start3A_290 = tpu.memref_slice %arg12[%add3A_11, %dma_start3A_289] : memref<10000x128xf32, #tpu.memory_space<vmem_shared>> -> memref<128x128xf32, #tpu.memory_space<vmem_shared>>
      tpu.enqueue_dma source(%arg9 : memref<128x128xf32, #tpu.memory_space<vmem>>) target(%dma_start3A_290 : memref<128x128xf32, #tpu.memory_space<vmem_shared>>) target_semaphore(%run_scoped3A : memref<!tpu.dma_semaphore, #tpu.memory_space<semaphore_mem>>)
      %dma_wait3A_291 = arith.constant 0 : i32
      %dma_wait3A_292 = tpu.memref_slice %arg12[%add3A_11, %dma_wait3A_291] : memref<10000x128xf32, #tpu.memory_space<vmem_shared>> -> memref<128x128xf32, #tpu.memory_space<vmem_shared>>
      %dma_wait3A_293 = arith.constant 0 : i32
      %dma_wait3A_294 = tpu.memref_slice %arg12[%add3A_11, %dma_wait3A_293] : memref<10000x128xf32, #tpu.memory_space<vmem_shared>> -> memref<128x128xf32, #tpu.memory_space<vmem_shared>>
      tpu.wait_dma2 semaphore(%run_scoped3A : memref<!tpu.dma_semaphore, #tpu.memory_space<semaphore_mem>>) src(%arg9 : memref<128x128xf32, #tpu.memory_space<vmem>>) dst(%dma_wait3A_294 : memref<128x128xf32, #tpu.memory_space<vmem_shared>>)
      tpu.yield
    }) : () -> ()
    %add3A_12 = arith.constant 128 : i32
    %add3A_13 = arith.addi %mul3A_2, %add3A_12 : i32
    "tpu.region"() ({
      %run_scoped3A = tpu.sem_alloc : memref<!tpu.dma_semaphore, #tpu.memory_space<semaphore_mem>>
      %dma_start3A_287 = arith.constant 0 : i32
      %dma_start3A_288 = tpu.memref_slice %arg12[%add3A_13, %dma_start3A_287] : memref<10000x128xf32, #tpu.memory_space<vmem_shared>> -> memref<128x128xf32, #tpu.memory_space<vmem_shared>>
      %dma_start3A_289 = arith.constant 0 : i32
      %dma_start3A_290 = tpu.memref_slice %arg12[%add3A_13, %dma_start3A_289] : memref<10000x128xf32, #tpu.memory_space<vmem_shared>> -> memref<128x128xf32, #tpu.memory_space<vmem_shared>>
      tpu.enqueue_dma source(%arg9 : memref<128x128xf32, #tpu.memory_space<vmem>>) target(%dma_start3A_290 : memref<128x128xf32, #tpu.memory_space<vmem_shared>>) target_semaphore(%run_scoped3A : memref<!tpu.dma_semaphore, #tpu.memory_space<semaphore_mem>>)
      %dma_wait3A_291 = arith.constant 0 : i32
      %dma_wait3A_292 = tpu.memref_slice %arg12[%add3A_13, %dma_wait3A_291] : memref<10000x128xf32, #tpu.memory_space<vmem_shared>> -> memref<128x128xf32, #tpu.memory_space<vmem_shared>>
      %dma_wait3A_293 = arith.constant 0 : i32
      %dma_wait3A_294 = tpu.memref_slice %arg12[%add3A_13, %dma_wait3A_293] : memref<10000x128xf32, #tpu.memory_space<vmem_shared>> -> memref<128x128xf32, #tpu.memory_space<vmem_shared>>
      tpu.wait_dma2 semaphore(%run_scoped3A : memref<!tpu.dma_semaphore, #tpu.memory_space<semaphore_mem>>) src(%arg9 : memref<128x128xf32, #tpu.memory_space<vmem>>) dst(%dma_wait3A_294 : memref<128x128xf32, #tpu.memory_space<vmem_shared>>)
      tpu.yield
    }) : () -> ()
    %add3A_14 = arith.constant 256 : i32
    %add3A_15 = arith.addi %mul3A_2, %add3A_14 : i32
    "tpu.region"() ({
      %run_scoped3A = tpu.sem_alloc : memref<!tpu.dma_semaphore, #tpu.memory_space<semaphore_mem>>
      %dma_start3A_287 = arith.constant 0 : i32
      %dma_start3A_288 = tpu.memref_slice %arg12[%add3A_15, %dma_start3A_287] : memref<10000x128xf32, #tpu.memory_space<vmem_shared>> -> memref<128x128xf32, #tpu.memory_space<vmem_shared>>
      %dma_start3A_289 = arith.constant 0 : i32
      %dma_start3A_290 = tpu.memref_slice %arg12[%add3A_15, %dma_start3A_289] : memref<10000x128xf32, #tpu.memory_space<vmem_shared>> -> memref<128x128xf32, #tpu.memory_space<vmem_shared>>
      tpu.enqueue_dma source(%arg9 : memref<128x128xf32, #tpu.memory_space<vmem>>) target(%dma_start3A_290 : memref<128x128xf32, #tpu.memory_space<vmem_shared>>) target_semaphore(%run_scoped3A : memref<!tpu.dma_semaphore, #tpu.memory_space<semaphore_mem>>)
      %dma_wait3A_291 = arith.constant 0 : i32
      %dma_wait3A_292 = tpu.memref_slice %arg12[%add3A_15, %dma_wait3A_291] : memref<10000x128xf32, #tpu.memory_space<vmem_shared>> -> memref<128x128xf32, #tpu.memory_space<vmem_shared>>
      %dma_wait3A_293 = arith.constant 0 : i32
      %dma_wait3A_294 = tpu.memref_slice %arg12[%add3A_15, %dma_wait3A_293] : memref<10000x128xf32, #tpu.memory_space<vmem_shared>> -> memref<128x128xf32, #tpu.memory_space<vmem_shared>>
      tpu.wait_dma2 semaphore(%run_scoped3A : memref<!tpu.dma_semaphore, #tpu.memory_space<semaphore_mem>>) src(%arg9 : memref<128x128xf32, #tpu.memory_space<vmem>>) dst(%dma_wait3A_294 : memref<128x128xf32, #tpu.memory_space<vmem_shared>>)
      tpu.yield
    }) : () -> ()
    %add3A_16 = arith.constant 384 : i32
    %add3A_17 = arith.addi %mul3A_2, %add3A_16 : i32
    "tpu.region"() ({
      %run_scoped3A = tpu.sem_alloc : memref<!tpu.dma_semaphore, #tpu.memory_space<semaphore_mem>>
      %dma_start3A_287 = arith.constant 0 : i32
      %dma_start3A_288 = tpu.memref_slice %arg12[%add3A_17, %dma_start3A_287] : memref<10000x128xf32, #tpu.memory_space<vmem_shared>> -> memref<128x128xf32, #tpu.memory_space<vmem_shared>>
      %dma_start3A_289 = arith.constant 0 : i32
      %dma_start3A_290 = tpu.memref_slice %arg12[%add3A_17, %dma_start3A_289] : memref<10000x128xf32, #tpu.memory_space<vmem_shared>> -> memref<128x128xf32, #tpu.memory_space<vmem_shared>>
      tpu.enqueue_dma source(%arg9 : memref<128x128xf32, #tpu.memory_space<vmem>>) target(%dma_start3A_290 : memref<128x128xf32, #tpu.memory_space<vmem_shared>>) target_semaphore(%run_scoped3A : memref<!tpu.dma_semaphore, #tpu.memory_space<semaphore_mem>>)
      %dma_wait3A_291 = arith.constant 0 : i32
      %dma_wait3A_292 = tpu.memref_slice %arg12[%add3A_17, %dma_wait3A_291] : memref<10000x128xf32, #tpu.memory_space<vmem_shared>> -> memref<128x128xf32, #tpu.memory_space<vmem_shared>>
      %dma_wait3A_293 = arith.constant 0 : i32
      %dma_wait3A_294 = tpu.memref_slice %arg12[%add3A_17, %dma_wait3A_293] : memref<10000x128xf32, #tpu.memory_space<vmem_shared>> -> memref<128x128xf32, #tpu.memory_space<vmem_shared>>
      tpu.wait_dma2 semaphore(%run_scoped3A : memref<!tpu.dma_semaphore, #tpu.memory_space<semaphore_mem>>) src(%arg9 : memref<128x128xf32, #tpu.memory_space<vmem>>) dst(%dma_wait3A_294 : memref<128x128xf32, #tpu.memory_space<vmem_shared>>)
      tpu.yield
    }) : () -> ()
    %add3A_18 = arith.constant 512 : i32
    %add3A_19 = arith.addi %mul3A_2, %add3A_18 : i32
    "tpu.region"() ({
      %run_scoped3A = tpu.sem_alloc : memref<!tpu.dma_semaphore, #tpu.memory_space<semaphore_mem>>
      %dma_start3A_287 = arith.constant 0 : i32
      %dma_start3A_288 = arith.constant 0 : i32
      %dma_start3A_289 = tpu.memref_slice %arg9[%dma_start3A_287, %dma_start3A_288] : memref<128x128xf32, #tpu.memory_space<vmem>> -> memref<112x128xf32, #tpu.memory_space<vmem>>
      %dma_start3A_290 = arith.constant 0 : i32
      %dma_start3A_291 = tpu.memref_slice %arg12[%add3A_19, %dma_start3A_290] : memref<10000x128xf32, #tpu.memory_space<vmem_shared>> -> memref<112x128xf32, #tpu.memory_space<vmem_shared>>
      %dma_start3A_292 = arith.constant 0 : i32
      %dma_start3A_293 = tpu.memref_slice %arg12[%add3A_19, %dma_start3A_292] : memref<10000x128xf32, #tpu.memory_space<vmem_shared>> -> memref<112x128xf32, #tpu.memory_space<vmem_shared>>
      %dma_start3A_294 = arith.constant 0 : i32
      %dma_start3A_295 = arith.constant 0 : i32
      %dma_start3A_296 = tpu.memref_slice %arg9[%dma_start3A_294, %dma_start3A_295] : memref<128x128xf32, #tpu.memory_space<vmem>> -> memref<112x128xf32, #tpu.memory_space<vmem>>
      tpu.enqueue_dma source(%dma_start3A_296 : memref<112x128xf32, #tpu.memory_space<vmem>>) target(%dma_start3A_293 : memref<112x128xf32, #tpu.memory_space<vmem_shared>>) target_semaphore(%run_scoped3A : memref<!tpu.dma_semaphore, #tpu.memory_space<semaphore_mem>>)
      %dma_wait3A_297 = arith.constant 0 : i32
      %dma_wait3A_298 = arith.constant 0 : i32
      %dma_wait3A_299 = tpu.memref_slice %arg9[%dma_wait3A_297, %dma_wait3A_298] : memref<128x128xf32, #tpu.memory_space<vmem>> -> memref<112x128xf32, #tpu.memory_space<vmem>>
      %dma_wait3A_300 = arith.constant 0 : i32
      %dma_wait3A_301 = tpu.memref_slice %arg12[%add3A_19, %dma_wait3A_300] : memref<10000x128xf32, #tpu.memory_space<vmem_shared>> -> memref<112x128xf32, #tpu.memory_space<vmem_shared>>
      %dma_wait3A_302 = arith.constant 0 : i32
      %dma_wait3A_303 = tpu.memref_slice %arg12[%add3A_19, %dma_wait3A_302] : memref<10000x128xf32, #tpu.memory_space<vmem_shared>> -> memref<112x128xf32, #tpu.memory_space<vmem_shared>>
      %dma_wait3A_304 = arith.constant 0 : i32
      %dma_wait3A_305 = arith.constant 0 : i32
      %dma_wait3A_306 = tpu.memref_slice %arg9[%dma_wait3A_304, %dma_wait3A_305] : memref<128x128xf32, #tpu.memory_space<vmem>> -> memref<112x128xf32, #tpu.memory_space<vmem>>
      tpu.wait_dma2 semaphore(%run_scoped3A : memref<!tpu.dma_semaphore, #tpu.memory_space<semaphore_mem>>) src(%dma_wait3A_306 : memref<112x128xf32, #tpu.memory_space<vmem>>) dst(%dma_wait3A_303 : memref<112x128xf32, #tpu.memory_space<vmem_shared>>)
      tpu.yield
    }) : () -> ()
    %eq3A = arith.constant 0 : i32
    %eq3A_20 = arith.cmpi eq, %arg1, %eq3A : i32
    %convert_element_type3A = arith.extui %eq3A_20 : i1 to i32
    %cond3A = arith.constant 0 : i32
    %cond3A_21 = arith.cmpi ne, %convert_element_type3A, %cond3A : i32
    scf.if %cond3A_21 {
      "tpu.region"() ({
        %run_scoped3A = tpu.sem_alloc : memref<!tpu.dma_semaphore, #tpu.memory_space<semaphore_mem>>
        %dma_start3A_287 = arith.constant 0 : i32
        %dma_start3A_288 = arith.constant 0 : i32
        %dma_start3A_289 = tpu.memref_slice %arg9[%dma_start3A_287, %dma_start3A_288] : memref<128x128xf32, #tpu.memory_space<vmem>> -> memref<16x128xf32, #tpu.memory_space<vmem>>
        %dma_start3A_290 = arith.constant 9984 : i32
        %dma_start3A_291 = arith.constant 0 : i32
        %dma_start3A_292 = tpu.memref_slice %arg12[%dma_start3A_290, %dma_start3A_291] : memref<10000x128xf32, #tpu.memory_space<vmem_shared>> -> memref<16x128xf32, #tpu.memory_space<vmem_shared>>
        %dma_start3A_293 = arith.constant 9984 : i32
        %dma_start3A_294 = arith.constant 0 : i32
        %dma_start3A_295 = tpu.memref_slice %arg12[%dma_start3A_293, %dma_start3A_294] : memref<10000x128xf32, #tpu.memory_space<vmem_shared>> -> memref<16x128xf32, #tpu.memory_space<vmem_shared>>
        %dma_start3A_296 = arith.constant 0 : i32
        %dma_start3A_297 = arith.constant 0 : i32
        %dma_start3A_298 = tpu.memref_slice %arg9[%dma_start3A_296, %dma_start3A_297] : memref<128x128xf32, #tpu.memory_space<vmem>> -> memref<16x128xf32, #tpu.memory_space<vmem>>
        tpu.enqueue_dma source(%dma_start3A_298 : memref<16x128xf32, #tpu.memory_space<vmem>>) target(%dma_start3A_295 : memref<16x128xf32, #tpu.memory_space<vmem_shared>>) target_semaphore(%run_scoped3A : memref<!tpu.dma_semaphore, #tpu.memory_space<semaphore_mem>>)
        %dma_wait3A_299 = arith.constant 0 : i32
        %dma_wait3A_300 = arith.constant 0 : i32
        %dma_wait3A_301 = tpu.memref_slice %arg9[%dma_wait3A_299, %dma_wait3A_300] : memref<128x128xf32, #tpu.memory_space<vmem>> -> memref<16x128xf32, #tpu.memory_space<vmem>>
        %dma_wait3A_302 = arith.constant 9984 : i32
        %dma_wait3A_303 = arith.constant 0 : i32
        %dma_wait3A_304 = tpu.memref_slice %arg12[%dma_wait3A_302, %dma_wait3A_303] : memref<10000x128xf32, #tpu.memory_space<vmem_shared>> -> memref<16x128xf32, #tpu.memory_space<vmem_shared>>
        %dma_wait3A_305 = arith.constant 9984 : i32
        %dma_wait3A_306 = arith.constant 0 : i32
        %dma_wait3A_307 = tpu.memref_slice %arg12[%dma_wait3A_305, %dma_wait3A_306] : memref<10000x128xf32, #tpu.memory_space<vmem_shared>> -> memref<16x128xf32, #tpu.memory_space<vmem_shared>>
        %dma_wait3A_308 = arith.constant 0 : i32
        %dma_wait3A_309 = arith.constant 0 : i32
        %dma_wait3A_310 = tpu.memref_slice %arg9[%dma_wait3A_308, %dma_wait3A_309] : memref<128x128xf32, #tpu.memory_space<vmem>> -> memref<16x128xf32, #tpu.memory_space<vmem>>
        tpu.wait_dma2 semaphore(%run_scoped3A : memref<!tpu.dma_semaphore, #tpu.memory_space<semaphore_mem>>) src(%dma_wait3A_310 : memref<16x128xf32, #tpu.memory_space<vmem>>) dst(%dma_wait3A_307 : memref<16x128xf32, #tpu.memory_space<vmem_shared>>)
        tpu.yield
      }) : () -> ()
    } else {
    }
    %barrier3A = arith.constant 0 : index
    tpu.barrier barrier_id(%barrier3A)
    %mul3A_22 = arith.constant 128 : i32
    %mul3A_23 = arith.muli %mul3A_4, %mul3A_22 : i32
    "tpu.region"() ({
      %run_scoped3A = tpu.sem_alloc : memref<!tpu.dma_semaphore, #tpu.memory_space<semaphore_mem>>
      %dma_start3A_287 = arith.constant 0 : i32
      %dma_start3A_288 = tpu.memref_slice %arg3[%dma_start3A_287, %mul3A_23] : memref<2x320000xi32, #tpu.memory_space<hbm>> -> memref<2x128xi32, #tpu.memory_space<hbm>>
      %dma_start3A_289 = arith.constant 0 : i32
      %dma_start3A_290 = tpu.memref_slice %arg3[%dma_start3A_289, %mul3A_23] : memref<2x320000xi32, #tpu.memory_space<hbm>> -> memref<2x128xi32, #tpu.memory_space<hbm>>
      tpu.enqueue_dma source(%dma_start3A_290 : memref<2x128xi32, #tpu.memory_space<hbm>>) target(%arg5 : memref<2x128xi32, #tpu.memory_space<vmem>>) target_semaphore(%run_scoped3A : memref<!tpu.dma_semaphore, #tpu.memory_space<semaphore_mem>>)
      %dma_wait3A_291 = arith.constant 0 : i32
      %dma_wait3A_292 = tpu.memref_slice %arg3[%dma_wait3A_291, %mul3A_23] : memref<2x320000xi32, #tpu.memory_space<hbm>> -> memref<2x128xi32, #tpu.memory_space<hbm>>
      %dma_wait3A_293 = arith.constant 0 : i32
      %dma_wait3A_294 = tpu.memref_slice %arg3[%dma_wait3A_293, %mul3A_23] : memref<2x320000xi32, #tpu.memory_space<hbm>> -> memref<2x128xi32, #tpu.memory_space<hbm>>
      tpu.wait_dma2 semaphore(%run_scoped3A : memref<!tpu.dma_semaphore, #tpu.memory_space<semaphore_mem>>) src(%dma_wait3A_294 : memref<2x128xi32, #tpu.memory_space<hbm>>) dst(%arg5 : memref<2x128xi32, #tpu.memory_space<vmem>>)
      tpu.yield
    }) : () -> ()
    %add3A_24 = arith.constant 1 : i32
    %add3A_25 = arith.addi %mul3A_4, %add3A_24 : i32
    %mul3A_26 = arith.constant 128 : i32
    %mul3A_27 = arith.muli %add3A_25, %mul3A_26 : i32
    "tpu.region"() ({
      %run_scoped3A = tpu.sem_alloc : memref<!tpu.dma_semaphore, #tpu.memory_space<semaphore_mem>>
      %dma_start3A_287 = arith.constant 0 : i32
      %dma_start3A_288 = tpu.memref_slice %arg3[%dma_start3A_287, %mul3A_27] : memref<2x320000xi32, #tpu.memory_space<hbm>> -> memref<2x128xi32, #tpu.memory_space<hbm>>
      %dma_start3A_289 = arith.constant 0 : i32
      %dma_start3A_290 = tpu.memref_slice %arg3[%dma_start3A_289, %mul3A_27] : memref<2x320000xi32, #tpu.memory_space<hbm>> -> memref<2x128xi32, #tpu.memory_space<hbm>>
      tpu.enqueue_dma source(%dma_start3A_290 : memref<2x128xi32, #tpu.memory_space<hbm>>) target(%arg6 : memref<2x128xi32, #tpu.memory_space<vmem>>) target_semaphore(%run_scoped3A : memref<!tpu.dma_semaphore, #tpu.memory_space<semaphore_mem>>)
      %dma_wait3A_291 = arith.constant 0 : i32
      %dma_wait3A_292 = tpu.memref_slice %arg3[%dma_wait3A_291, %mul3A_27] : memref<2x320000xi32, #tpu.memory_space<hbm>> -> memref<2x128xi32, #tpu.memory_space<hbm>>
      %dma_wait3A_293 = arith.constant 0 : i32
      %dma_wait3A_294 = tpu.memref_slice %arg3[%dma_wait3A_293, %mul3A_27] : memref<2x320000xi32, #tpu.memory_space<hbm>> -> memref<2x128xi32, #tpu.memory_space<hbm>>
      tpu.wait_dma2 semaphore(%run_scoped3A : memref<!tpu.dma_semaphore, #tpu.memory_space<semaphore_mem>>) src(%dma_wait3A_294 : memref<2x128xi32, #tpu.memory_space<hbm>>) dst(%arg6 : memref<2x128xi32, #tpu.memory_space<vmem>>)
      tpu.yield
    }) : () -> ()
    %dma_start3A = arith.constant 0 : i32
    %dma_start3A_28 = arith.constant 0 : i32
    %dma_start3A_29 = tpu.memref_slice %arg5[%dma_start3A, %dma_start3A_28] : memref<2x128xi32, #tpu.memory_space<vmem>> -> memref<1x128xi32, #tpu.memory_space<vmem>>
    %dma_start3A_30 = tpu.memref_squeeze %dma_start3A_29 : memref<1x128xi32, #tpu.memory_space<vmem>> -> memref<128xi32, #tpu.memory_space<vmem>>
    %dma_start3A_31 = arith.constant 0 : i32
    %dma_start3A_32 = arith.constant 0 : i32
    %dma_start3A_33 = tpu.memref_slice %arg2[%dma_start3A_31, %dma_start3A_32] : memref<10000x128xf32, #tpu.memory_space<hbm>> -> memref<10000x128xf32, #tpu.memory_space<hbm>>
    tpu.enqueue_indirect_dma source(%dma_start3A_33 : memref<10000x128xf32, #tpu.memory_space<hbm>>) target(%arg9 : memref<128x128xf32, #tpu.memory_space<vmem>>) offsets(%dma_start3A_30 : memref<128xi32, #tpu.memory_space<vmem>>) semaphore(%arg17 : memref<!tpu.dma_semaphore, #tpu.memory_space<semaphore_mem>>)
    %dma_start3A_34 = arith.constant 0 : i32
    %dma_start3A_35 = arith.constant 0 : i32
    %dma_start3A_36 = tpu.memref_slice %arg6[%dma_start3A_34, %dma_start3A_35] : memref<2x128xi32, #tpu.memory_space<vmem>> -> memref<1x128xi32, #tpu.memory_space<vmem>>
    %dma_start3A_37 = tpu.memref_squeeze %dma_start3A_36 : memref<1x128xi32, #tpu.memory_space<vmem>> -> memref<128xi32, #tpu.memory_space<vmem>>
    %dma_start3A_38 = arith.constant 0 : i32
    %dma_start3A_39 = arith.constant 0 : i32
    %dma_start3A_40 = tpu.memref_slice %arg2[%dma_start3A_38, %dma_start3A_39] : memref<10000x128xf32, #tpu.memory_space<hbm>> -> memref<10000x128xf32, #tpu.memory_space<hbm>>
    tpu.enqueue_indirect_dma source(%dma_start3A_40 : memref<10000x128xf32, #tpu.memory_space<hbm>>) target(%arg10 : memref<128x128xf32, #tpu.memory_space<vmem>>) offsets(%dma_start3A_37 : memref<128xi32, #tpu.memory_space<vmem>>) semaphore(%arg18 : memref<!tpu.dma_semaphore, #tpu.memory_space<semaphore_mem>>)
    %add3A_41 = arith.constant 2 : i32
    %add3A_42 = arith.addi %mul3A_4, %add3A_41 : i32
    %mul3A_43 = arith.constant 128 : i32
    %mul3A_44 = arith.muli %add3A_42, %mul3A_43 : i32
    %dma_start3A_45 = arith.constant 0 : i32
    %dma_start3A_46 = tpu.memref_slice %arg3[%dma_start3A_45, %mul3A_44] : memref<2x320000xi32, #tpu.memory_space<hbm>> -> memref<2x128xi32, #tpu.memory_space<hbm>>
    %dma_start3A_47 = arith.constant 0 : i32
    %dma_start3A_48 = tpu.memref_slice %arg3[%dma_start3A_47, %mul3A_44] : memref<2x320000xi32, #tpu.memory_space<hbm>> -> memref<2x128xi32, #tpu.memory_space<hbm>>
    tpu.enqueue_dma source(%dma_start3A_48 : memref<2x128xi32, #tpu.memory_space<hbm>>) target(%arg7 : memref<2x128xi32, #tpu.memory_space<vmem>>) target_semaphore(%arg15 : memref<!tpu.dma_semaphore, #tpu.memory_space<semaphore_mem>>)
    %min3A = arith.constant 3 : i32
    %min3A_49 = arith.constant 77 : i32
    %min3A_50 = arith.minsi %min3A, %min3A_49 : i32
    %add3A_51 = arith.addi %min3A_50, %mul3A_4 : i32
    %mul3A_52 = arith.constant 128 : i32
    %mul3A_53 = arith.muli %add3A_51, %mul3A_52 : i32
    %dma_start3A_54 = arith.constant 0 : i32
    %dma_start3A_55 = tpu.memref_slice %arg3[%dma_start3A_54, %mul3A_53] : memref<2x320000xi32, #tpu.memory_space<hbm>> -> memref<2x128xi32, #tpu.memory_space<hbm>>
    %dma_start3A_56 = arith.constant 0 : i32
    %dma_start3A_57 = tpu.memref_slice %arg3[%dma_start3A_56, %mul3A_53] : memref<2x320000xi32, #tpu.memory_space<hbm>> -> memref<2x128xi32, #tpu.memory_space<hbm>>
    tpu.enqueue_dma source(%dma_start3A_57 : memref<2x128xi32, #tpu.memory_space<hbm>>) target(%arg8 : memref<2x128xi32, #tpu.memory_space<vmem>>) target_semaphore(%arg16 : memref<!tpu.dma_semaphore, #tpu.memory_space<semaphore_mem>>)
    %dma_wait3A = arith.constant 0 : i32
    %dma_wait3A_58 = arith.constant 0 : i32
    %dma_wait3A_59 = tpu.memref_slice %arg3[%dma_wait3A, %dma_wait3A_58] : memref<2x320000xi32, #tpu.memory_space<hbm>> -> memref<2x128xi32, #tpu.memory_space<hbm>>
    %dma_wait3A_60 = arith.constant 0 : i32
    %dma_wait3A_61 = arith.constant 0 : i32
    %dma_wait3A_62 = tpu.memref_slice %arg3[%dma_wait3A_60, %dma_wait3A_61] : memref<2x320000xi32, #tpu.memory_space<hbm>> -> memref<2x128xi32, #tpu.memory_space<hbm>>
    tpu.wait_dma2 semaphore(%arg15 : memref<!tpu.dma_semaphore, #tpu.memory_space<semaphore_mem>>) src(%dma_wait3A_62 : memref<2x128xi32, #tpu.memory_space<hbm>>) dst(%arg7 : memref<2x128xi32, #tpu.memory_space<vmem>>)
    %dma_start3A_63 = arith.constant 0 : i32
    %dma_start3A_64 = arith.constant 0 : i32
    %dma_start3A_65 = tpu.memref_slice %arg7[%dma_start3A_63, %dma_start3A_64] : memref<2x128xi32, #tpu.memory_space<vmem>> -> memref<1x128xi32, #tpu.memory_space<vmem>>
    %dma_start3A_66 = tpu.memref_squeeze %dma_start3A_65 : memref<1x128xi32, #tpu.memory_space<vmem>> -> memref<128xi32, #tpu.memory_space<vmem>>
    %dma_start3A_67 = arith.constant 0 : i32
    %dma_start3A_68 = arith.constant 0 : i32
    %dma_start3A_69 = tpu.memref_slice %arg2[%dma_start3A_67, %dma_start3A_68] : memref<10000x128xf32, #tpu.memory_space<hbm>> -> memref<10000x128xf32, #tpu.memory_space<hbm>>
    tpu.enqueue_indirect_dma source(%dma_start3A_69 : memref<10000x128xf32, #tpu.memory_space<hbm>>) target(%arg11 : memref<128x128xf32, #tpu.memory_space<vmem>>) offsets(%dma_start3A_66 : memref<128xi32, #tpu.memory_space<vmem>>) semaphore(%arg19 : memref<!tpu.dma_semaphore, #tpu.memory_space<semaphore_mem>>)
    %dma_wait3A_70 = arith.constant 0 : i32
    %dma_wait3A_71 = arith.constant 0 : i32
    %dma_wait3A_72 = tpu.memref_slice %arg5[%dma_wait3A_70, %dma_wait3A_71] : memref<2x128xi32, #tpu.memory_space<vmem>> -> memref<1x128xi32, #tpu.memory_space<vmem>>
    %dma_wait3A_73 = tpu.memref_squeeze %dma_wait3A_72 : memref<1x128xi32, #tpu.memory_space<vmem>> -> memref<128xi32, #tpu.memory_space<vmem>>
    %dma_wait3A_74 = arith.constant 0 : i32
    %dma_wait3A_75 = arith.constant 0 : i32
    %dma_wait3A_76 = tpu.memref_slice %arg2[%dma_wait3A_74, %dma_wait3A_75] : memref<10000x128xf32, #tpu.memory_space<hbm>> -> memref<10000x128xf32, #tpu.memory_space<hbm>>
    tpu.wait_indirect_dma semaphore(%arg17 : memref<!tpu.dma_semaphore, #tpu.memory_space<semaphore_mem>>) src(%dma_wait3A_76 : memref<10000x128xf32, #tpu.memory_space<hbm>>) dst(%arg9 : memref<128x128xf32, #tpu.memory_space<vmem>>)
    %dma_start3A_77 = arith.constant 1 : i32
    %dma_start3A_78 = arith.constant 0 : i32
    %dma_start3A_79 = tpu.memref_slice %arg5[%dma_start3A_77, %dma_start3A_78] : memref<2x128xi32, #tpu.memory_space<vmem>> -> memref<1x128xi32, #tpu.memory_space<vmem>>
    %dma_start3A_80 = tpu.memref_squeeze %dma_start3A_79 : memref<1x128xi32, #tpu.memory_space<vmem>> -> memref<128xi32, #tpu.memory_space<vmem>>
    %dma_start3A_81 = arith.constant 0 : i32
    %dma_start3A_82 = arith.constant 0 : i32
    %dma_start3A_83 = tpu.memref_slice %arg12[%dma_start3A_81, %dma_start3A_82] : memref<10000x128xf32, #tpu.memory_space<vmem_shared>> -> memref<10000x128xf32, #tpu.memory_space<vmem_shared>>
    tpu.enqueue_indirect_dma source(%arg9 : memref<128x128xf32, #tpu.memory_space<vmem>>) target(%dma_start3A_83 : memref<10000x128xf32, #tpu.memory_space<vmem_shared>>) offsets(%dma_start3A_80 : memref<128xi32, #tpu.memory_space<vmem>>) semaphore(%arg20 : memref<!tpu.dma_semaphore, #tpu.memory_space<semaphore_mem>>) {add = true}
    %dma_wait3A_84 = arith.constant 1 : i32
    %dma_wait3A_85 = arith.constant 0 : i32
    %dma_wait3A_86 = tpu.memref_slice %arg5[%dma_wait3A_84, %dma_wait3A_85] : memref<2x128xi32, #tpu.memory_space<vmem>> -> memref<1x128xi32, #tpu.memory_space<vmem>>
    %dma_wait3A_87 = tpu.memref_squeeze %dma_wait3A_86 : memref<1x128xi32, #tpu.memory_space<vmem>> -> memref<128xi32, #tpu.memory_space<vmem>>
    %dma_wait3A_88 = arith.constant 0 : i32
    %dma_wait3A_89 = arith.constant 0 : i32
    %dma_wait3A_90 = tpu.memref_slice %arg12[%dma_wait3A_88, %dma_wait3A_89] : memref<10000x128xf32, #tpu.memory_space<vmem_shared>> -> memref<10000x128xf32, #tpu.memory_space<vmem_shared>>
    tpu.wait_indirect_dma semaphore(%arg20 : memref<!tpu.dma_semaphore, #tpu.memory_space<semaphore_mem>>) src(%arg9 : memref<128x128xf32, #tpu.memory_space<vmem>>) dst(%dma_wait3A_90 : memref<10000x128xf32, #tpu.memory_space<vmem_shared>>)
    %min3A_91 = arith.constant 4 : i32
    %min3A_92 = arith.constant 77 : i32
    %min3A_93 = arith.minsi %min3A_91, %min3A_92 : i32
    %add3A_94 = arith.addi %min3A_93, %mul3A_4 : i32
    %mul3A_95 = arith.constant 128 : i32
    %mul3A_96 = arith.muli %add3A_94, %mul3A_95 : i32
    %dma_start3A_97 = arith.constant 0 : i32
    %dma_start3A_98 = tpu.memref_slice %arg3[%dma_start3A_97, %mul3A_96] : memref<2x320000xi32, #tpu.memory_space<hbm>> -> memref<2x128xi32, #tpu.memory_space<hbm>>
    %dma_start3A_99 = arith.constant 0 : i32
    %dma_start3A_100 = tpu.memref_slice %arg3[%dma_start3A_99, %mul3A_96] : memref<2x320000xi32, #tpu.memory_space<hbm>> -> memref<2x128xi32, #tpu.memory_space<hbm>>
    tpu.enqueue_dma source(%dma_start3A_100 : memref<2x128xi32, #tpu.memory_space<hbm>>) target(%arg5 : memref<2x128xi32, #tpu.memory_space<vmem>>) target_semaphore(%arg13 : memref<!tpu.dma_semaphore, #tpu.memory_space<semaphore_mem>>)
    %dma_wait3A_101 = arith.constant 0 : i32
    %dma_wait3A_102 = arith.constant 0 : i32
    %dma_wait3A_103 = tpu.memref_slice %arg3[%dma_wait3A_101, %dma_wait3A_102] : memref<2x320000xi32, #tpu.memory_space<hbm>> -> memref<2x128xi32, #tpu.memory_space<hbm>>
    %dma_wait3A_104 = arith.constant 0 : i32
    %dma_wait3A_105 = arith.constant 0 : i32
    %dma_wait3A_106 = tpu.memref_slice %arg3[%dma_wait3A_104, %dma_wait3A_105] : memref<2x320000xi32, #tpu.memory_space<hbm>> -> memref<2x128xi32, #tpu.memory_space<hbm>>
    tpu.wait_dma2 semaphore(%arg16 : memref<!tpu.dma_semaphore, #tpu.memory_space<semaphore_mem>>) src(%dma_wait3A_106 : memref<2x128xi32, #tpu.memory_space<hbm>>) dst(%arg8 : memref<2x128xi32, #tpu.memory_space<vmem>>)
    %dma_start3A_107 = arith.constant 0 : i32
    %dma_start3A_108 = arith.constant 0 : i32
    %dma_start3A_109 = tpu.memref_slice %arg8[%dma_start3A_107, %dma_start3A_108] : memref<2x128xi32, #tpu.memory_space<vmem>> -> memref<1x128xi32, #tpu.memory_space<vmem>>
    %dma_start3A_110 = tpu.memref_squeeze %dma_start3A_109 : memref<1x128xi32, #tpu.memory_space<vmem>> -> memref<128xi32, #tpu.memory_space<vmem>>
    %dma_start3A_111 = arith.constant 0 : i32
    %dma_start3A_112 = arith.constant 0 : i32
    %dma_start3A_113 = tpu.memref_slice %arg2[%dma_start3A_111, %dma_start3A_112] : memref<10000x128xf32, #tpu.memory_space<hbm>> -> memref<10000x128xf32, #tpu.memory_space<hbm>>
    tpu.enqueue_indirect_dma source(%dma_start3A_113 : memref<10000x128xf32, #tpu.memory_space<hbm>>) target(%arg9 : memref<128x128xf32, #tpu.memory_space<vmem>>) offsets(%dma_start3A_110 : memref<128xi32, #tpu.memory_space<vmem>>) semaphore(%arg17 : memref<!tpu.dma_semaphore, #tpu.memory_space<semaphore_mem>>)
    %dma_wait3A_114 = arith.constant 0 : i32
    %dma_wait3A_115 = arith.constant 0 : i32
    %dma_wait3A_116 = tpu.memref_slice %arg6[%dma_wait3A_114, %dma_wait3A_115] : memref<2x128xi32, #tpu.memory_space<vmem>> -> memref<1x128xi32, #tpu.memory_space<vmem>>
    %dma_wait3A_117 = tpu.memref_squeeze %dma_wait3A_116 : memref<1x128xi32, #tpu.memory_space<vmem>> -> memref<128xi32, #tpu.memory_space<vmem>>
    %dma_wait3A_118 = arith.constant 0 : i32
    %dma_wait3A_119 = arith.constant 0 : i32
    %dma_wait3A_120 = tpu.memref_slice %arg2[%dma_wait3A_118, %dma_wait3A_119] : memref<10000x128xf32, #tpu.memory_space<hbm>> -> memref<10000x128xf32, #tpu.memory_space<hbm>>
    tpu.wait_indirect_dma semaphore(%arg18 : memref<!tpu.dma_semaphore, #tpu.memory_space<semaphore_mem>>) src(%dma_wait3A_120 : memref<10000x128xf32, #tpu.memory_space<hbm>>) dst(%arg10 : memref<128x128xf32, #tpu.memory_space<vmem>>)
    %dma_start3A_121 = arith.constant 1 : i32
    %dma_start3A_122 = arith.constant 0 : i32
    %dma_start3A_123 = tpu.memref_slice %arg6[%dma_start3A_121, %dma_start3A_122] : memref<2x128xi32, #tpu.memory_space<vmem>> -> memref<1x128xi32, #tpu.memory_space<vmem>>
    %dma_start3A_124 = tpu.memref_squeeze %dma_start3A_123 : memref<1x128xi32, #tpu.memory_space<vmem>> -> memref<128xi32, #tpu.memory_space<vmem>>
    %dma_start3A_125 = arith.constant 0 : i32
    %dma_start3A_126 = arith.constant 0 : i32
    %dma_start3A_127 = tpu.memref_slice %arg12[%dma_start3A_125, %dma_start3A_126] : memref<10000x128xf32, #tpu.memory_space<vmem_shared>> -> memref<10000x128xf32, #tpu.memory_space<vmem_shared>>
    tpu.enqueue_indirect_dma source(%arg10 : memref<128x128xf32, #tpu.memory_space<vmem>>) target(%dma_start3A_127 : memref<10000x128xf32, #tpu.memory_space<vmem_shared>>) offsets(%dma_start3A_124 : memref<128xi32, #tpu.memory_space<vmem>>) semaphore(%arg21 : memref<!tpu.dma_semaphore, #tpu.memory_space<semaphore_mem>>) {add = true}
    %dma_wait3A_128 = arith.constant 1 : i32
    %dma_wait3A_129 = arith.constant 0 : i32
    %dma_wait3A_130 = tpu.memref_slice %arg6[%dma_wait3A_128, %dma_wait3A_129] : memref<2x128xi32, #tpu.memory_space<vmem>> -> memref<1x128xi32, #tpu.memory_space<vmem>>
    %dma_wait3A_131 = tpu.memref_squeeze %dma_wait3A_130 : memref<1x128xi32, #tpu.memory_space<vmem>> -> memref<128xi32, #tpu.memory_space<vmem>>
    %dma_wait3A_132 = arith.constant 0 : i32
    %dma_wait3A_133 = arith.constant 0 : i32
    %dma_wait3A_134 = tpu.memref_slice %arg12[%dma_wait3A_132, %dma_wait3A_133] : memref<10000x128xf32, #tpu.memory_space<vmem_shared>> -> memref<10000x128xf32, #tpu.memory_space<vmem_shared>>
    tpu.wait_indirect_dma semaphore(%arg21 : memref<!tpu.dma_semaphore, #tpu.memory_space<semaphore_mem>>) src(%arg10 : memref<128x128xf32, #tpu.memory_space<vmem>>) dst(%dma_wait3A_134 : memref<10000x128xf32, #tpu.memory_space<vmem_shared>>)
    %min3A_135 = arith.constant 5 : i32
    %min3A_136 = arith.constant 77 : i32
    %min3A_137 = arith.minsi %min3A_135, %min3A_136 : i32
    %add3A_138 = arith.addi %min3A_137, %mul3A_4 : i32
    %mul3A_139 = arith.constant 128 : i32
    %mul3A_140 = arith.muli %add3A_138, %mul3A_139 : i32
    %dma_start3A_141 = arith.constant 0 : i32
    %dma_start3A_142 = tpu.memref_slice %arg3[%dma_start3A_141, %mul3A_140] : memref<2x320000xi32, #tpu.memory_space<hbm>> -> memref<2x128xi32, #tpu.memory_space<hbm>>
    %dma_start3A_143 = arith.constant 0 : i32
    %dma_start3A_144 = tpu.memref_slice %arg3[%dma_start3A_143, %mul3A_140] : memref<2x320000xi32, #tpu.memory_space<hbm>> -> memref<2x128xi32, #tpu.memory_space<hbm>>
    tpu.enqueue_dma source(%dma_start3A_144 : memref<2x128xi32, #tpu.memory_space<hbm>>) target(%arg6 : memref<2x128xi32, #tpu.memory_space<vmem>>) target_semaphore(%arg14 : memref<!tpu.dma_semaphore, #tpu.memory_space<semaphore_mem>>)
    %dma_wait3A_145 = arith.constant 0 : i32
    %dma_wait3A_146 = arith.constant 0 : i32
    %dma_wait3A_147 = tpu.memref_slice %arg3[%dma_wait3A_145, %dma_wait3A_146] : memref<2x320000xi32, #tpu.memory_space<hbm>> -> memref<2x128xi32, #tpu.memory_space<hbm>>
    %dma_wait3A_148 = arith.constant 0 : i32
    %dma_wait3A_149 = arith.constant 0 : i32
    %dma_wait3A_150 = tpu.memref_slice %arg3[%dma_wait3A_148, %dma_wait3A_149] : memref<2x320000xi32, #tpu.memory_space<hbm>> -> memref<2x128xi32, #tpu.memory_space<hbm>>
    tpu.wait_dma2 semaphore(%arg13 : memref<!tpu.dma_semaphore, #tpu.memory_space<semaphore_mem>>) src(%dma_wait3A_150 : memref<2x128xi32, #tpu.memory_space<hbm>>) dst(%arg5 : memref<2x128xi32, #tpu.memory_space<vmem>>)
    %dma_start3A_151 = arith.constant 0 : i32
    %dma_start3A_152 = arith.constant 0 : i32
    %dma_start3A_153 = tpu.memref_slice %arg5[%dma_start3A_151, %dma_start3A_152] : memref<2x128xi32, #tpu.memory_space<vmem>> -> memref<1x128xi32, #tpu.memory_space<vmem>>
    %dma_start3A_154 = tpu.memref_squeeze %dma_start3A_153 : memref<1x128xi32, #tpu.memory_space<vmem>> -> memref<128xi32, #tpu.memory_space<vmem>>
    %dma_start3A_155 = arith.constant 0 : i32
    %dma_start3A_156 = arith.constant 0 : i32
    %dma_start3A_157 = tpu.memref_slice %arg2[%dma_start3A_155, %dma_start3A_156] : memref<10000x128xf32, #tpu.memory_space<hbm>> -> memref<10000x128xf32, #tpu.memory_space<hbm>>
    tpu.enqueue_indirect_dma source(%dma_start3A_157 : memref<10000x128xf32, #tpu.memory_space<hbm>>) target(%arg10 : memref<128x128xf32, #tpu.memory_space<vmem>>) offsets(%dma_start3A_154 : memref<128xi32, #tpu.memory_space<vmem>>) semaphore(%arg18 : memref<!tpu.dma_semaphore, #tpu.memory_space<semaphore_mem>>)
    %dma_wait3A_158 = arith.constant 0 : i32
    %dma_wait3A_159 = arith.constant 0 : i32
    %dma_wait3A_160 = tpu.memref_slice %arg7[%dma_wait3A_158, %dma_wait3A_159] : memref<2x128xi32, #tpu.memory_space<vmem>> -> memref<1x128xi32, #tpu.memory_space<vmem>>
    %dma_wait3A_161 = tpu.memref_squeeze %dma_wait3A_160 : memref<1x128xi32, #tpu.memory_space<vmem>> -> memref<128xi32, #tpu.memory_space<vmem>>
    %dma_wait3A_162 = arith.constant 0 : i32
    %dma_wait3A_163 = arith.constant 0 : i32
    %dma_wait3A_164 = tpu.memref_slice %arg2[%dma_wait3A_162, %dma_wait3A_163] : memref<10000x128xf32, #tpu.memory_space<hbm>> -> memref<10000x128xf32, #tpu.memory_space<hbm>>
    tpu.wait_indirect_dma semaphore(%arg19 : memref<!tpu.dma_semaphore, #tpu.memory_space<semaphore_mem>>) src(%dma_wait3A_164 : memref<10000x128xf32, #tpu.memory_space<hbm>>) dst(%arg11 : memref<128x128xf32, #tpu.memory_space<vmem>>)
    %dma_start3A_165 = arith.constant 1 : i32
    %dma_start3A_166 = arith.constant 0 : i32
    %dma_start3A_167 = tpu.memref_slice %arg7[%dma_start3A_165, %dma_start3A_166] : memref<2x128xi32, #tpu.memory_space<vmem>> -> memref<1x128xi32, #tpu.memory_space<vmem>>
    %dma_start3A_168 = tpu.memref_squeeze %dma_start3A_167 : memref<1x128xi32, #tpu.memory_space<vmem>> -> memref<128xi32, #tpu.memory_space<vmem>>
    %dma_start3A_169 = arith.constant 0 : i32
    %dma_start3A_170 = arith.constant 0 : i32
    %dma_start3A_171 = tpu.memref_slice %arg12[%dma_start3A_169, %dma_start3A_170] : memref<10000x128xf32, #tpu.memory_space<vmem_shared>> -> memref<10000x128xf32, #tpu.memory_space<vmem_shared>>
    tpu.enqueue_indirect_dma source(%arg11 : memref<128x128xf32, #tpu.memory_space<vmem>>) target(%dma_start3A_171 : memref<10000x128xf32, #tpu.memory_space<vmem_shared>>) offsets(%dma_start3A_168 : memref<128xi32, #tpu.memory_space<vmem>>) semaphore(%arg22 : memref<!tpu.dma_semaphore, #tpu.memory_space<semaphore_mem>>) {add = true}
    %dma_wait3A_172 = arith.constant 1 : i32
    %dma_wait3A_173 = arith.constant 0 : i32
    %dma_wait3A_174 = tpu.memref_slice %arg7[%dma_wait3A_172, %dma_wait3A_173] : memref<2x128xi32, #tpu.memory_space<vmem>> -> memref<1x128xi32, #tpu.memory_space<vmem>>
    %dma_wait3A_175 = tpu.memref_squeeze %dma_wait3A_174 : memref<1x128xi32, #tpu.memory_space<vmem>> -> memref<128xi32, #tpu.memory_space<vmem>>
    %dma_wait3A_176 = arith.constant 0 : i32
    %dma_wait3A_177 = arith.constant 0 : i32
    %dma_wait3A_178 = tpu.memref_slice %arg12[%dma_wait3A_176, %dma_wait3A_177] : memref<10000x128xf32, #tpu.memory_space<vmem_shared>> -> memref<10000x128xf32, #tpu.memory_space<vmem_shared>>
    tpu.wait_indirect_dma semaphore(%arg22 : memref<!tpu.dma_semaphore, #tpu.memory_space<semaphore_mem>>) src(%arg11 : memref<128x128xf32, #tpu.memory_space<vmem>>) dst(%dma_wait3A_178 : memref<10000x128xf32, #tpu.memory_space<vmem_shared>>)
    %min3A_179 = arith.constant 6 : i32
    %min3A_180 = arith.constant 77 : i32
    %min3A_181 = arith.minsi %min3A_179, %min3A_180 : i32
    %add3A_182 = arith.addi %min3A_181, %mul3A_4 : i32
    %mul3A_183 = arith.constant 128 : i32
    %mul3A_184 = arith.muli %add3A_182, %mul3A_183 : i32
    %dma_start3A_185 = arith.constant 0 : i32
    %dma_start3A_186 = tpu.memref_slice %arg3[%dma_start3A_185, %mul3A_184] : memref<2x320000xi32, #tpu.memory_space<hbm>> -> memref<2x128xi32, #tpu.memory_space<hbm>>
    %dma_start3A_187 = arith.constant 0 : i32
    %dma_start3A_188 = tpu.memref_slice %arg3[%dma_start3A_187, %mul3A_184] : memref<2x320000xi32, #tpu.memory_space<hbm>> -> memref<2x128xi32, #tpu.memory_space<hbm>>
    tpu.enqueue_dma source(%dma_start3A_188 : memref<2x128xi32, #tpu.memory_space<hbm>>) target(%arg7 : memref<2x128xi32, #tpu.memory_space<vmem>>) target_semaphore(%arg15 : memref<!tpu.dma_semaphore, #tpu.memory_space<semaphore_mem>>)
    %dma_wait3A_189 = arith.constant 0 : i32
    %dma_wait3A_190 = arith.constant 0 : i32
    %dma_wait3A_191 = tpu.memref_slice %arg3[%dma_wait3A_189, %dma_wait3A_190] : memref<2x320000xi32, #tpu.memory_space<hbm>> -> memref<2x128xi32, #tpu.memory_space<hbm>>
    %dma_wait3A_192 = arith.constant 0 : i32
    %dma_wait3A_193 = arith.constant 0 : i32
    %dma_wait3A_194 = tpu.memref_slice %arg3[%dma_wait3A_192, %dma_wait3A_193] : memref<2x320000xi32, #tpu.memory_space<hbm>> -> memref<2x128xi32, #tpu.memory_space<hbm>>
    tpu.wait_dma2 semaphore(%arg14 : memref<!tpu.dma_semaphore, #tpu.memory_space<semaphore_mem>>) src(%dma_wait3A_194 : memref<2x128xi32, #tpu.memory_space<hbm>>) dst(%arg6 : memref<2x128xi32, #tpu.memory_space<vmem>>)
    %dma_start3A_195 = arith.constant 0 : i32
    %dma_start3A_196 = arith.constant 0 : i32
    %dma_start3A_197 = tpu.memref_slice %arg6[%dma_start3A_195, %dma_start3A_196] : memref<2x128xi32, #tpu.memory_space<vmem>> -> memref<1x128xi32, #tpu.memory_space<vmem>>
    %dma_start3A_198 = tpu.memref_squeeze %dma_start3A_197 : memref<1x128xi32, #tpu.memory_space<vmem>> -> memref<128xi32, #tpu.memory_space<vmem>>
    %dma_start3A_199 = arith.constant 0 : i32
    %dma_start3A_200 = arith.constant 0 : i32
    %dma_start3A_201 = tpu.memref_slice %arg2[%dma_start3A_199, %dma_start3A_200] : memref<10000x128xf32, #tpu.memory_space<hbm>> -> memref<10000x128xf32, #tpu.memory_space<hbm>>
    tpu.enqueue_indirect_dma source(%dma_start3A_201 : memref<10000x128xf32, #tpu.memory_space<hbm>>) target(%arg11 : memref<128x128xf32, #tpu.memory_space<vmem>>) offsets(%dma_start3A_198 : memref<128xi32, #tpu.memory_space<vmem>>) semaphore(%arg19 : memref<!tpu.dma_semaphore, #tpu.memory_space<semaphore_mem>>)
    %dma_wait3A_202 = arith.constant 0 : i32
    %dma_wait3A_203 = arith.constant 0 : i32
    %dma_wait3A_204 = tpu.memref_slice %arg8[%dma_wait3A_202, %dma_wait3A_203] : memref<2x128xi32, #tpu.memory_space<vmem>> -> memref<1x128xi32, #tpu.memory_space<vmem>>
    %dma_wait3A_205 = tpu.memref_squeeze %dma_wait3A_204 : memref<1x128xi32, #tpu.memory_space<vmem>> -> memref<128xi32, #tpu.memory_space<vmem>>
    %dma_wait3A_206 = arith.constant 0 : i32
    %dma_wait3A_207 = arith.constant 0 : i32
    %dma_wait3A_208 = tpu.memref_slice %arg2[%dma_wait3A_206, %dma_wait3A_207] : memref<10000x128xf32, #tpu.memory_space<hbm>> -> memref<10000x128xf32, #tpu.memory_space<hbm>>
    tpu.wait_indirect_dma semaphore(%arg17 : memref<!tpu.dma_semaphore, #tpu.memory_space<semaphore_mem>>) src(%dma_wait3A_208 : memref<10000x128xf32, #tpu.memory_space<hbm>>) dst(%arg9 : memref<128x128xf32, #tpu.memory_space<vmem>>)
    %dma_start3A_209 = arith.constant 1 : i32
    %dma_start3A_210 = arith.constant 0 : i32
    %dma_start3A_211 = tpu.memref_slice %arg8[%dma_start3A_209, %dma_start3A_210] : memref<2x128xi32, #tpu.memory_space<vmem>> -> memref<1x128xi32, #tpu.memory_space<vmem>>
    %dma_start3A_212 = tpu.memref_squeeze %dma_start3A_211 : memref<1x128xi32, #tpu.memory_space<vmem>> -> memref<128xi32, #tpu.memory_space<vmem>>
    %dma_start3A_213 = arith.constant 0 : i32
    %dma_start3A_214 = arith.constant 0 : i32
    %dma_start3A_215 = tpu.memref_slice %arg12[%dma_start3A_213, %dma_start3A_214] : memref<10000x128xf32, #tpu.memory_space<vmem_shared>> -> memref<10000x128xf32, #tpu.memory_space<vmem_shared>>
    tpu.enqueue_indirect_dma source(%arg9 : memref<128x128xf32, #tpu.memory_space<vmem>>) target(%dma_start3A_215 : memref<10000x128xf32, #tpu.memory_space<vmem_shared>>) offsets(%dma_start3A_212 : memref<128xi32, #tpu.memory_space<vmem>>) semaphore(%arg20 : memref<!tpu.dma_semaphore, #tpu.memory_space<semaphore_mem>>) {add = true}
    %scan3A_216 = arith.constant 0 : i32
    %scan3A_217 = arith.constant 0 : i32
    %scan3A_218 = arith.constant 6 : i32
    %scan3A_219 = arith.addi %scan3A_217, %scan3A_218 : i32
    %scan3A_220 = arith.constant 1 : i32
    scf.for %scan3A_287 = %scan3A_217 to %scan3A_219 step %scan3A_220  : i32 {
      %mul3A_288 = arith.constant 12 : i32
      %mul3A_289 = arith.muli %mul3A_288, %scan3A_287 : i32
      %add3A_290 = arith.constant 4 : i32
      %add3A_291 = arith.addi %mul3A_289, %add3A_290 : i32
      %add3A_292 = arith.constant 0 : i32
      %add3A_293 = arith.addi %add3A_291, %add3A_292 : i32
      %dma_wait3A_294 = arith.constant 1 : i32
      %dma_wait3A_295 = arith.constant 0 : i32
      %dma_wait3A_296 = tpu.memref_slice %arg8[%dma_wait3A_294, %dma_wait3A_295] : memref<2x128xi32, #tpu.memory_space<vmem>> -> memref<1x128xi32, #tpu.memory_space<vmem>>
      %dma_wait3A_297 = tpu.memref_squeeze %dma_wait3A_296 : memref<1x128xi32, #tpu.memory_space<vmem>> -> memref<128xi32, #tpu.memory_space<vmem>>
      %dma_wait3A_298 = arith.constant 0 : i32
      %dma_wait3A_299 = arith.constant 0 : i32
      %dma_wait3A_300 = tpu.memref_slice %arg12[%dma_wait3A_298, %dma_wait3A_299] : memref<10000x128xf32, #tpu.memory_space<vmem_shared>> -> memref<10000x128xf32, #tpu.memory_space<vmem_shared>>
      tpu.wait_indirect_dma semaphore(%arg20 : memref<!tpu.dma_semaphore, #tpu.memory_space<semaphore_mem>>) src(%arg9 : memref<128x128xf32, #tpu.memory_space<vmem>>) dst(%dma_wait3A_300 : memref<10000x128xf32, #tpu.memory_space<vmem_shared>>)
      %add3A_301 = arith.constant 3 : i32
      %add3A_302 = arith.addi %add3A_293, %add3A_301 : i32
      %min3A_303 = arith.constant 77 : i32
      %min3A_304 = arith.minsi %add3A_302, %min3A_303 : i32
      %add3A_305 = arith.addi %min3A_304, %mul3A_4 : i32
      %mul3A_306 = arith.constant 128 : i32
      %mul3A_307 = arith.muli %add3A_305, %mul3A_306 : i32
      %dma_start3A_308 = arith.constant 0 : i32
      %dma_start3A_309 = tpu.memref_slice %arg3[%dma_start3A_308, %mul3A_307] : memref<2x320000xi32, #tpu.memory_space<hbm>> -> memref<2x128xi32, #tpu.memory_space<hbm>>
      %dma_start3A_310 = arith.constant 0 : i32
      %dma_start3A_311 = tpu.memref_slice %arg3[%dma_start3A_310, %mul3A_307] : memref<2x320000xi32, #tpu.memory_space<hbm>> -> memref<2x128xi32, #tpu.memory_space<hbm>>
      tpu.enqueue_dma source(%dma_start3A_311 : memref<2x128xi32, #tpu.memory_space<hbm>>) target(%arg8 : memref<2x128xi32, #tpu.memory_space<vmem>>) target_semaphore(%arg16 : memref<!tpu.dma_semaphore, #tpu.memory_space<semaphore_mem>>)
      %dma_wait3A_312 = arith.constant 0 : i32
      %dma_wait3A_313 = arith.constant 0 : i32
      %dma_wait3A_314 = tpu.memref_slice %arg3[%dma_wait3A_312, %dma_wait3A_313] : memref<2x320000xi32, #tpu.memory_space<hbm>> -> memref<2x128xi32, #tpu.memory_space<hbm>>
      %dma_wait3A_315 = arith.constant 0 : i32
      %dma_wait3A_316 = arith.constant 0 : i32
      %dma_wait3A_317 = tpu.memref_slice %arg3[%dma_wait3A_315, %dma_wait3A_316] : memref<2x320000xi32, #tpu.memory_space<hbm>> -> memref<2x128xi32, #tpu.memory_space<hbm>>
      tpu.wait_dma2 semaphore(%arg15 : memref<!tpu.dma_semaphore, #tpu.memory_space<semaphore_mem>>) src(%dma_wait3A_317 : memref<2x128xi32, #tpu.memory_space<hbm>>) dst(%arg7 : memref<2x128xi32, #tpu.memory_space<vmem>>)
      %dma_start3A_318 = arith.constant 0 : i32
      %dma_start3A_319 = arith.constant 0 : i32
      %dma_start3A_320 = tpu.memref_slice %arg7[%dma_start3A_318, %dma_start3A_319] : memref<2x128xi32, #tpu.memory_space<vmem>> -> memref<1x128xi32, #tpu.memory_space<vmem>>
      %dma_start3A_321 = tpu.memref_squeeze %dma_start3A_320 : memref<1x128xi32, #tpu.memory_space<vmem>> -> memref<128xi32, #tpu.memory_space<vmem>>
      %dma_start3A_322 = arith.constant 0 : i32
      %dma_start3A_323 = arith.constant 0 : i32
      %dma_start3A_324 = tpu.memref_slice %arg2[%dma_start3A_322, %dma_start3A_323] : memref<10000x128xf32, #tpu.memory_space<hbm>> -> memref<10000x128xf32, #tpu.memory_space<hbm>>
      tpu.enqueue_indirect_dma source(%dma_start3A_324 : memref<10000x128xf32, #tpu.memory_space<hbm>>) target(%arg9 : memref<128x128xf32, #tpu.memory_space<vmem>>) offsets(%dma_start3A_321 : memref<128xi32, #tpu.memory_space<vmem>>) semaphore(%arg17 : memref<!tpu.dma_semaphore, #tpu.memory_space<semaphore_mem>>)
      %dma_wait3A_325 = arith.constant 0 : i32
      %dma_wait3A_326 = arith.constant 0 : i32
      %dma_wait3A_327 = tpu.memref_slice %arg5[%dma_wait3A_325, %dma_wait3A_326] : memref<2x128xi32, #tpu.memory_space<vmem>> -> memref<1x128xi32, #tpu.memory_space<vmem>>
      %dma_wait3A_328 = tpu.memref_squeeze %dma_wait3A_327 : memref<1x128xi32, #tpu.memory_space<vmem>> -> memref<128xi32, #tpu.memory_space<vmem>>
      %dma_wait3A_329 = arith.constant 0 : i32
      %dma_wait3A_330 = arith.constant 0 : i32
      %dma_wait3A_331 = tpu.memref_slice %arg2[%dma_wait3A_329, %dma_wait3A_330] : memref<10000x128xf32, #tpu.memory_space<hbm>> -> memref<10000x128xf32, #tpu.memory_space<hbm>>
      tpu.wait_indirect_dma semaphore(%arg18 : memref<!tpu.dma_semaphore, #tpu.memory_space<semaphore_mem>>) src(%dma_wait3A_331 : memref<10000x128xf32, #tpu.memory_space<hbm>>) dst(%arg10 : memref<128x128xf32, #tpu.memory_space<vmem>>)
      %dma_start3A_332 = arith.constant 1 : i32
      %dma_start3A_333 = arith.constant 0 : i32
      %dma_start3A_334 = tpu.memref_slice %arg5[%dma_start3A_332, %dma_start3A_333] : memref<2x128xi32, #tpu.memory_space<vmem>> -> memref<1x128xi32, #tpu.memory_space<vmem>>
      %dma_start3A_335 = tpu.memref_squeeze %dma_start3A_334 : memref<1x128xi32, #tpu.memory_space<vmem>> -> memref<128xi32, #tpu.memory_space<vmem>>
      %dma_start3A_336 = arith.constant 0 : i32
      %dma_start3A_337 = arith.constant 0 : i32
      %dma_start3A_338 = tpu.memref_slice %arg12[%dma_start3A_336, %dma_start3A_337] : memref<10000x128xf32, #tpu.memory_space<vmem_shared>> -> memref<10000x128xf32, #tpu.memory_space<vmem_shared>>
      tpu.enqueue_indirect_dma source(%arg10 : memref<128x128xf32, #tpu.memory_space<vmem>>) target(%dma_start3A_338 : memref<10000x128xf32, #tpu.memory_space<vmem_shared>>) offsets(%dma_start3A_335 : memref<128xi32, #tpu.memory_space<vmem>>) semaphore(%arg21 : memref<!tpu.dma_semaphore, #tpu.memory_space<semaphore_mem>>) {add = true}
      %mul3A_339 = arith.constant 12 : i32
      %mul3A_340 = arith.muli %mul3A_339, %scan3A_287 : i32
      %add3A_341 = arith.constant 4 : i32
      %add3A_342 = arith.addi %mul3A_340, %add3A_341 : i32
      %add3A_343 = arith.constant 1 : i32
      %add3A_344 = arith.addi %add3A_342, %add3A_343 : i32
      %dma_wait3A_345 = arith.constant 1 : i32
      %dma_wait3A_346 = arith.constant 0 : i32
      %dma_wait3A_347 = tpu.memref_slice %arg5[%dma_wait3A_345, %dma_wait3A_346] : memref<2x128xi32, #tpu.memory_space<vmem>> -> memref<1x128xi32, #tpu.memory_space<vmem>>
      %dma_wait3A_348 = tpu.memref_squeeze %dma_wait3A_347 : memref<1x128xi32, #tpu.memory_space<vmem>> -> memref<128xi32, #tpu.memory_space<vmem>>
      %dma_wait3A_349 = arith.constant 0 : i32
      %dma_wait3A_350 = arith.constant 0 : i32
      %dma_wait3A_351 = tpu.memref_slice %arg12[%dma_wait3A_349, %dma_wait3A_350] : memref<10000x128xf32, #tpu.memory_space<vmem_shared>> -> memref<10000x128xf32, #tpu.memory_space<vmem_shared>>
      tpu.wait_indirect_dma semaphore(%arg21 : memref<!tpu.dma_semaphore, #tpu.memory_space<semaphore_mem>>) src(%arg10 : memref<128x128xf32, #tpu.memory_space<vmem>>) dst(%dma_wait3A_351 : memref<10000x128xf32, #tpu.memory_space<vmem_shared>>)
      %add3A_352 = arith.constant 3 : i32
      %add3A_353 = arith.addi %add3A_344, %add3A_352 : i32
      %min3A_354 = arith.constant 77 : i32
      %min3A_355 = arith.minsi %add3A_353, %min3A_354 : i32
      %add3A_356 = arith.addi %min3A_355, %mul3A_4 : i32
      %mul3A_357 = arith.constant 128 : i32
      %mul3A_358 = arith.muli %add3A_356, %mul3A_357 : i32
      %dma_start3A_359 = arith.constant 0 : i32
      %dma_start3A_360 = tpu.memref_slice %arg3[%dma_start3A_359, %mul3A_358] : memref<2x320000xi32, #tpu.memory_space<hbm>> -> memref<2x128xi32, #tpu.memory_space<hbm>>
      %dma_start3A_361 = arith.constant 0 : i32
      %dma_start3A_362 = tpu.memref_slice %arg3[%dma_start3A_361, %mul3A_358] : memref<2x320000xi32, #tpu.memory_space<hbm>> -> memref<2x128xi32, #tpu.memory_space<hbm>>
      tpu.enqueue_dma source(%dma_start3A_362 : memref<2x128xi32, #tpu.memory_space<hbm>>) target(%arg5 : memref<2x128xi32, #tpu.memory_space<vmem>>) target_semaphore(%arg13 : memref<!tpu.dma_semaphore, #tpu.memory_space<semaphore_mem>>)
      %dma_wait3A_363 = arith.constant 0 : i32
      %dma_wait3A_364 = arith.constant 0 : i32
      %dma_wait3A_365 = tpu.memref_slice %arg3[%dma_wait3A_363, %dma_wait3A_364] : memref<2x320000xi32, #tpu.memory_space<hbm>> -> memref<2x128xi32, #tpu.memory_space<hbm>>
      %dma_wait3A_366 = arith.constant 0 : i32
      %dma_wait3A_367 = arith.constant 0 : i32
      %dma_wait3A_368 = tpu.memref_slice %arg3[%dma_wait3A_366, %dma_wait3A_367] : memref<2x320000xi32, #tpu.memory_space<hbm>> -> memref<2x128xi32, #tpu.memory_space<hbm>>
      tpu.wait_dma2 semaphore(%arg16 : memref<!tpu.dma_semaphore, #tpu.memory_space<semaphore_mem>>) src(%dma_wait3A_368 : memref<2x128xi32, #tpu.memory_space<hbm>>) dst(%arg8 : memref<2x128xi32, #tpu.memory_space<vmem>>)
      %dma_start3A_369 = arith.constant 0 : i32
      %dma_start3A_370 = arith.constant 0 : i32
      %dma_start3A_371 = tpu.memref_slice %arg8[%dma_start3A_369, %dma_start3A_370] : memref<2x128xi32, #tpu.memory_space<vmem>> -> memref<1x128xi32, #tpu.memory_space<vmem>>
      %dma_start3A_372 = tpu.memref_squeeze %dma_start3A_371 : memref<1x128xi32, #tpu.memory_space<vmem>> -> memref<128xi32, #tpu.memory_space<vmem>>
      %dma_start3A_373 = arith.constant 0 : i32
      %dma_start3A_374 = arith.constant 0 : i32
      %dma_start3A_375 = tpu.memref_slice %arg2[%dma_start3A_373, %dma_start3A_374] : memref<10000x128xf32, #tpu.memory_space<hbm>> -> memref<10000x128xf32, #tpu.memory_space<hbm>>
      tpu.enqueue_indirect_dma source(%dma_start3A_375 : memref<10000x128xf32, #tpu.memory_space<hbm>>) target(%arg10 : memref<128x128xf32, #tpu.memory_space<vmem>>) offsets(%dma_start3A_372 : memref<128xi32, #tpu.memory_space<vmem>>) semaphore(%arg18 : memref<!tpu.dma_semaphore, #tpu.memory_space<semaphore_mem>>)
      %dma_wait3A_376 = arith.constant 0 : i32
      %dma_wait3A_377 = arith.constant 0 : i32
      %dma_wait3A_378 = tpu.memref_slice %arg6[%dma_wait3A_376, %dma_wait3A_377] : memref<2x128xi32, #tpu.memory_space<vmem>> -> memref<1x128xi32, #tpu.memory_space<vmem>>
      %dma_wait3A_379 = tpu.memref_squeeze %dma_wait3A_378 : memref<1x128xi32, #tpu.memory_space<vmem>> -> memref<128xi32, #tpu.memory_space<vmem>>
      %dma_wait3A_380 = arith.constant 0 : i32
      %dma_wait3A_381 = arith.constant 0 : i32
      %dma_wait3A_382 = tpu.memref_slice %arg2[%dma_wait3A_380, %dma_wait3A_381] : memref<10000x128xf32, #tpu.memory_space<hbm>> -> memref<10000x128xf32, #tpu.memory_space<hbm>>
      tpu.wait_indirect_dma semaphore(%arg19 : memref<!tpu.dma_semaphore, #tpu.memory_space<semaphore_mem>>) src(%dma_wait3A_382 : memref<10000x128xf32, #tpu.memory_space<hbm>>) dst(%arg11 : memref<128x128xf32, #tpu.memory_space<vmem>>)
      %dma_start3A_383 = arith.constant 1 : i32
      %dma_start3A_384 = arith.constant 0 : i32
      %dma_start3A_385 = tpu.memref_slice %arg6[%dma_start3A_383, %dma_start3A_384] : memref<2x128xi32, #tpu.memory_space<vmem>> -> memref<1x128xi32, #tpu.memory_space<vmem>>
      %dma_start3A_386 = tpu.memref_squeeze %dma_start3A_385 : memref<1x128xi32, #tpu.memory_space<vmem>> -> memref<128xi32, #tpu.memory_space<vmem>>
      %dma_start3A_387 = arith.constant 0 : i32
      %dma_start3A_388 = arith.constant 0 : i32
      %dma_start3A_389 = tpu.memref_slice %arg12[%dma_start3A_387, %dma_start3A_388] : memref<10000x128xf32, #tpu.memory_space<vmem_shared>> -> memref<10000x128xf32, #tpu.memory_space<vmem_shared>>
      tpu.enqueue_indirect_dma source(%arg11 : memref<128x128xf32, #tpu.memory_space<vmem>>) target(%dma_start3A_389 : memref<10000x128xf32, #tpu.memory_space<vmem_shared>>) offsets(%dma_start3A_386 : memref<128xi32, #tpu.memory_space<vmem>>) semaphore(%arg22 : memref<!tpu.dma_semaphore, #tpu.memory_space<semaphore_mem>>) {add = true}
      %mul3A_390 = arith.constant 12 : i32
      %mul3A_391 = arith.muli %mul3A_390, %scan3A_287 : i32
      %add3A_392 = arith.constant 4 : i32
      %add3A_393 = arith.addi %mul3A_391, %add3A_392 : i32
      %add3A_394 = arith.constant 2 : i32
      %add3A_395 = arith.addi %add3A_393, %add3A_394 : i32
      %dma_wait3A_396 = arith.constant 1 : i32
      %dma_wait3A_397 = arith.constant 0 : i32
      %dma_wait3A_398 = tpu.memref_slice %arg6[%dma_wait3A_396, %dma_wait3A_397] : memref<2x128xi32, #tpu.memory_space<vmem>> -> memref<1x128xi32, #tpu.memory_space<vmem>>
      %dma_wait3A_399 = tpu.memref_squeeze %dma_wait3A_398 : memref<1x128xi32, #tpu.memory_space<vmem>> -> memref<128xi32, #tpu.memory_space<vmem>>
      %dma_wait3A_400 = arith.constant 0 : i32
      %dma_wait3A_401 = arith.constant 0 : i32
      %dma_wait3A_402 = tpu.memref_slice %arg12[%dma_wait3A_400, %dma_wait3A_401] : memref<10000x128xf32, #tpu.memory_space<vmem_shared>> -> memref<10000x128xf32, #tpu.memory_space<vmem_shared>>
      tpu.wait_indirect_dma semaphore(%arg22 : memref<!tpu.dma_semaphore, #tpu.memory_space<semaphore_mem>>) src(%arg11 : memref<128x128xf32, #tpu.memory_space<vmem>>) dst(%dma_wait3A_402 : memref<10000x128xf32, #tpu.memory_space<vmem_shared>>)
      %add3A_403 = arith.constant 3 : i32
      %add3A_404 = arith.addi %add3A_395, %add3A_403 : i32
      %min3A_405 = arith.constant 77 : i32
      %min3A_406 = arith.minsi %add3A_404, %min3A_405 : i32
      %add3A_407 = arith.addi %min3A_406, %mul3A_4 : i32
      %mul3A_408 = arith.constant 128 : i32
      %mul3A_409 = arith.muli %add3A_407, %mul3A_408 : i32
      %dma_start3A_410 = arith.constant 0 : i32
      %dma_start3A_411 = tpu.memref_slice %arg3[%dma_start3A_410, %mul3A_409] : memref<2x320000xi32, #tpu.memory_space<hbm>> -> memref<2x128xi32, #tpu.memory_space<hbm>>
      %dma_start3A_412 = arith.constant 0 : i32
      %dma_start3A_413 = tpu.memref_slice %arg3[%dma_start3A_412, %mul3A_409] : memref<2x320000xi32, #tpu.memory_space<hbm>> -> memref<2x128xi32, #tpu.memory_space<hbm>>
      tpu.enqueue_dma source(%dma_start3A_413 : memref<2x128xi32, #tpu.memory_space<hbm>>) target(%arg6 : memref<2x128xi32, #tpu.memory_space<vmem>>) target_semaphore(%arg14 : memref<!tpu.dma_semaphore, #tpu.memory_space<semaphore_mem>>)
      %dma_wait3A_414 = arith.constant 0 : i32
      %dma_wait3A_415 = arith.constant 0 : i32
      %dma_wait3A_416 = tpu.memref_slice %arg3[%dma_wait3A_414, %dma_wait3A_415] : memref<2x320000xi32, #tpu.memory_space<hbm>> -> memref<2x128xi32, #tpu.memory_space<hbm>>
      %dma_wait3A_417 = arith.constant 0 : i32
      %dma_wait3A_418 = arith.constant 0 : i32
      %dma_wait3A_419 = tpu.memref_slice %arg3[%dma_wait3A_417, %dma_wait3A_418] : memref<2x320000xi32, #tpu.memory_space<hbm>> -> memref<2x128xi32, #tpu.memory_space<hbm>>
      tpu.wait_dma2 semaphore(%arg13 : memref<!tpu.dma_semaphore, #tpu.memory_space<semaphore_mem>>) src(%dma_wait3A_419 : memref<2x128xi32, #tpu.memory_space<hbm>>) dst(%arg5 : memref<2x128xi32, #tpu.memory_space<vmem>>)
      %dma_start3A_420 = arith.constant 0 : i32
      %dma_start3A_421 = arith.constant 0 : i32
      %dma_start3A_422 = tpu.memref_slice %arg5[%dma_start3A_420, %dma_start3A_421] : memref<2x128xi32, #tpu.memory_space<vmem>> -> memref<1x128xi32, #tpu.memory_space<vmem>>
      %dma_start3A_423 = tpu.memref_squeeze %dma_start3A_422 : memref<1x128xi32, #tpu.memory_space<vmem>> -> memref<128xi32, #tpu.memory_space<vmem>>
      %dma_start3A_424 = arith.constant 0 : i32
      %dma_start3A_425 = arith.constant 0 : i32
      %dma_start3A_426 = tpu.memref_slice %arg2[%dma_start3A_424, %dma_start3A_425] : memref<10000x128xf32, #tpu.memory_space<hbm>> -> memref<10000x128xf32, #tpu.memory_space<hbm>>
      tpu.enqueue_indirect_dma source(%dma_start3A_426 : memref<10000x128xf32, #tpu.memory_space<hbm>>) target(%arg11 : memref<128x128xf32, #tpu.memory_space<vmem>>) offsets(%dma_start3A_423 : memref<128xi32, #tpu.memory_space<vmem>>) semaphore(%arg19 : memref<!tpu.dma_semaphore, #tpu.memory_space<semaphore_mem>>)
      %dma_wait3A_427 = arith.constant 0 : i32
      %dma_wait3A_428 = arith.constant 0 : i32
      %dma_wait3A_429 = tpu.memref_slice %arg7[%dma_wait3A_427, %dma_wait3A_428] : memref<2x128xi32, #tpu.memory_space<vmem>> -> memref<1x128xi32, #tpu.memory_space<vmem>>
      %dma_wait3A_430 = tpu.memref_squeeze %dma_wait3A_429 : memref<1x128xi32, #tpu.memory_space<vmem>> -> memref<128xi32, #tpu.memory_space<vmem>>
      %dma_wait3A_431 = arith.constant 0 : i32
      %dma_wait3A_432 = arith.constant 0 : i32
      %dma_wait3A_433 = tpu.memref_slice %arg2[%dma_wait3A_431, %dma_wait3A_432] : memref<10000x128xf32, #tpu.memory_space<hbm>> -> memref<10000x128xf32, #tpu.memory_space<hbm>>
      tpu.wait_indirect_dma semaphore(%arg17 : memref<!tpu.dma_semaphore, #tpu.memory_space<semaphore_mem>>) src(%dma_wait3A_433 : memref<10000x128xf32, #tpu.memory_space<hbm>>) dst(%arg9 : memref<128x128xf32, #tpu.memory_space<vmem>>)
      %dma_start3A_434 = arith.constant 1 : i32
      %dma_start3A_435 = arith.constant 0 : i32
      %dma_start3A_436 = tpu.memref_slice %arg7[%dma_start3A_434, %dma_start3A_435] : memref<2x128xi32, #tpu.memory_space<vmem>> -> memref<1x128xi32, #tpu.memory_space<vmem>>
      %dma_start3A_437 = tpu.memref_squeeze %dma_start3A_436 : memref<1x128xi32, #tpu.memory_space<vmem>> -> memref<128xi32, #tpu.memory_space<vmem>>
      %dma_start3A_438 = arith.constant 0 : i32
      %dma_start3A_439 = arith.constant 0 : i32
      %dma_start3A_440 = tpu.memref_slice %arg12[%dma_start3A_438, %dma_start3A_439] : memref<10000x128xf32, #tpu.memory_space<vmem_shared>> -> memref<10000x128xf32, #tpu.memory_space<vmem_shared>>
      tpu.enqueue_indirect_dma source(%arg9 : memref<128x128xf32, #tpu.memory_space<vmem>>) target(%dma_start3A_440 : memref<10000x128xf32, #tpu.memory_space<vmem_shared>>) offsets(%dma_start3A_437 : memref<128xi32, #tpu.memory_space<vmem>>) semaphore(%arg20 : memref<!tpu.dma_semaphore, #tpu.memory_space<semaphore_mem>>) {add = true}
      %mul3A_441 = arith.constant 12 : i32
      %mul3A_442 = arith.muli %mul3A_441, %scan3A_287 : i32
      %add3A_443 = arith.constant 4 : i32
      %add3A_444 = arith.addi %mul3A_442, %add3A_443 : i32
      %add3A_445 = arith.constant 3 : i32
      %add3A_446 = arith.addi %add3A_444, %add3A_445 : i32
      %dma_wait3A_447 = arith.constant 1 : i32
      %dma_wait3A_448 = arith.constant 0 : i32
      %dma_wait3A_449 = tpu.memref_slice %arg7[%dma_wait3A_447, %dma_wait3A_448] : memref<2x128xi32, #tpu.memory_space<vmem>> -> memref<1x128xi32, #tpu.memory_space<vmem>>
      %dma_wait3A_450 = tpu.memref_squeeze %dma_wait3A_449 : memref<1x128xi32, #tpu.memory_space<vmem>> -> memref<128xi32, #tpu.memory_space<vmem>>
      %dma_wait3A_451 = arith.constant 0 : i32
      %dma_wait3A_452 = arith.constant 0 : i32
      %dma_wait3A_453 = tpu.memref_slice %arg12[%dma_wait3A_451, %dma_wait3A_452] : memref<10000x128xf32, #tpu.memory_space<vmem_shared>> -> memref<10000x128xf32, #tpu.memory_space<vmem_shared>>
      tpu.wait_indirect_dma semaphore(%arg20 : memref<!tpu.dma_semaphore, #tpu.memory_space<semaphore_mem>>) src(%arg9 : memref<128x128xf32, #tpu.memory_space<vmem>>) dst(%dma_wait3A_453 : memref<10000x128xf32, #tpu.memory_space<vmem_shared>>)
      %add3A_454 = arith.constant 3 : i32
      %add3A_455 = arith.addi %add3A_446, %add3A_454 : i32
      %min3A_456 = arith.constant 77 : i32
      %min3A_457 = arith.minsi %add3A_455, %min3A_456 : i32
      %add3A_458 = arith.addi %min3A_457, %mul3A_4 : i32
      %mul3A_459 = arith.constant 128 : i32
      %mul3A_460 = arith.muli %add3A_458, %mul3A_459 : i32
      %dma_start3A_461 = arith.constant 0 : i32
      %dma_start3A_462 = tpu.memref_slice %arg3[%dma_start3A_461, %mul3A_460] : memref<2x320000xi32, #tpu.memory_space<hbm>> -> memref<2x128xi32, #tpu.memory_space<hbm>>
      %dma_start3A_463 = arith.constant 0 : i32
      %dma_start3A_464 = tpu.memref_slice %arg3[%dma_start3A_463, %mul3A_460] : memref<2x320000xi32, #tpu.memory_space<hbm>> -> memref<2x128xi32, #tpu.memory_space<hbm>>
      tpu.enqueue_dma source(%dma_start3A_464 : memref<2x128xi32, #tpu.memory_space<hbm>>) target(%arg7 : memref<2x128xi32, #tpu.memory_space<vmem>>) target_semaphore(%arg15 : memref<!tpu.dma_semaphore, #tpu.memory_space<semaphore_mem>>)
      %dma_wait3A_465 = arith.constant 0 : i32
      %dma_wait3A_466 = arith.constant 0 : i32
      %dma_wait3A_467 = tpu.memref_slice %arg3[%dma_wait3A_465, %dma_wait3A_466] : memref<2x320000xi32, #tpu.memory_space<hbm>> -> memref<2x128xi32, #tpu.memory_space<hbm>>
      %dma_wait3A_468 = arith.constant 0 : i32
      %dma_wait3A_469 = arith.constant 0 : i32
      %dma_wait3A_470 = tpu.memref_slice %arg3[%dma_wait3A_468, %dma_wait3A_469] : memref<2x320000xi32, #tpu.memory_space<hbm>> -> memref<2x128xi32, #tpu.memory_space<hbm>>
      tpu.wait_dma2 semaphore(%arg14 : memref<!tpu.dma_semaphore, #tpu.memory_space<semaphore_mem>>) src(%dma_wait3A_470 : memref<2x128xi32, #tpu.memory_space<hbm>>) dst(%arg6 : memref<2x128xi32, #tpu.memory_space<vmem>>)
      %dma_start3A_471 = arith.constant 0 : i32
      %dma_start3A_472 = arith.constant 0 : i32
      %dma_start3A_473 = tpu.memref_slice %arg6[%dma_start3A_471, %dma_start3A_472] : memref<2x128xi32, #tpu.memory_space<vmem>> -> memref<1x128xi32, #tpu.memory_space<vmem>>
      %dma_start3A_474 = tpu.memref_squeeze %dma_start3A_473 : memref<1x128xi32, #tpu.memory_space<vmem>> -> memref<128xi32, #tpu.memory_space<vmem>>
      %dma_start3A_475 = arith.constant 0 : i32
      %dma_start3A_476 = arith.constant 0 : i32
      %dma_start3A_477 = tpu.memref_slice %arg2[%dma_start3A_475, %dma_start3A_476] : memref<10000x128xf32, #tpu.memory_space<hbm>> -> memref<10000x128xf32, #tpu.memory_space<hbm>>
      tpu.enqueue_indirect_dma source(%dma_start3A_477 : memref<10000x128xf32, #tpu.memory_space<hbm>>) target(%arg9 : memref<128x128xf32, #tpu.memory_space<vmem>>) offsets(%dma_start3A_474 : memref<128xi32, #tpu.memory_space<vmem>>) semaphore(%arg17 : memref<!tpu.dma_semaphore, #tpu.memory_space<semaphore_mem>>)
      %dma_wait3A_478 = arith.constant 0 : i32
      %dma_wait3A_479 = arith.constant 0 : i32
      %dma_wait3A_480 = tpu.memref_slice %arg8[%dma_wait3A_478, %dma_wait3A_479] : memref<2x128xi32, #tpu.memory_space<vmem>> -> memref<1x128xi32, #tpu.memory_space<vmem>>
      %dma_wait3A_481 = tpu.memref_squeeze %dma_wait3A_480 : memref<1x128xi32, #tpu.memory_space<vmem>> -> memref<128xi32, #tpu.memory_space<vmem>>
      %dma_wait3A_482 = arith.constant 0 : i32
      %dma_wait3A_483 = arith.constant 0 : i32
      %dma_wait3A_484 = tpu.memref_slice %arg2[%dma_wait3A_482, %dma_wait3A_483] : memref<10000x128xf32, #tpu.memory_space<hbm>> -> memref<10000x128xf32, #tpu.memory_space<hbm>>
      tpu.wait_indirect_dma semaphore(%arg18 : memref<!tpu.dma_semaphore, #tpu.memory_space<semaphore_mem>>) src(%dma_wait3A_484 : memref<10000x128xf32, #tpu.memory_space<hbm>>) dst(%arg10 : memref<128x128xf32, #tpu.memory_space<vmem>>)
      %dma_start3A_485 = arith.constant 1 : i32
      %dma_start3A_486 = arith.constant 0 : i32
      %dma_start3A_487 = tpu.memref_slice %arg8[%dma_start3A_485, %dma_start3A_486] : memref<2x128xi32, #tpu.memory_space<vmem>> -> memref<1x128xi32, #tpu.memory_space<vmem>>
      %dma_start3A_488 = tpu.memref_squeeze %dma_start3A_487 : memref<1x128xi32, #tpu.memory_space<vmem>> -> memref<128xi32, #tpu.memory_space<vmem>>
      %dma_start3A_489 = arith.constant 0 : i32
      %dma_start3A_490 = arith.constant 0 : i32
      %dma_start3A_491 = tpu.memref_slice %arg12[%dma_start3A_489, %dma_start3A_490] : memref<10000x128xf32, #tpu.memory_space<vmem_shared>> -> memref<10000x128xf32, #tpu.memory_space<vmem_shared>>
      tpu.enqueue_indirect_dma source(%arg10 : memref<128x128xf32, #tpu.memory_space<vmem>>) target(%dma_start3A_491 : memref<10000x128xf32, #tpu.memory_space<vmem_shared>>) offsets(%dma_start3A_488 : memref<128xi32, #tpu.memory_space<vmem>>) semaphore(%arg21 : memref<!tpu.dma_semaphore, #tpu.memory_space<semaphore_mem>>) {add = true}
      %mul3A_492 = arith.constant 12 : i32
      %mul3A_493 = arith.muli %mul3A_492, %scan3A_287 : i32
      %add3A_494 = arith.constant 4 : i32
      %add3A_495 = arith.addi %mul3A_493, %add3A_494 : i32
      %add3A_496 = arith.constant 4 : i32
      %add3A_497 = arith.addi %add3A_495, %add3A_496 : i32
      %dma_wait3A_498 = arith.constant 1 : i32
      %dma_wait3A_499 = arith.constant 0 : i32
      %dma_wait3A_500 = tpu.memref_slice %arg8[%dma_wait3A_498, %dma_wait3A_499] : memref<2x128xi32, #tpu.memory_space<vmem>> -> memref<1x128xi32, #tpu.memory_space<vmem>>
      %dma_wait3A_501 = tpu.memref_squeeze %dma_wait3A_500 : memref<1x128xi32, #tpu.memory_space<vmem>> -> memref<128xi32, #tpu.memory_space<vmem>>
      %dma_wait3A_502 = arith.constant 0 : i32
      %dma_wait3A_503 = arith.constant 0 : i32
      %dma_wait3A_504 = tpu.memref_slice %arg12[%dma_wait3A_502, %dma_wait3A_503] : memref<10000x128xf32, #tpu.memory_space<vmem_shared>> -> memref<10000x128xf32, #tpu.memory_space<vmem_shared>>
      tpu.wait_indirect_dma semaphore(%arg21 : memref<!tpu.dma_semaphore, #tpu.memory_space<semaphore_mem>>) src(%arg10 : memref<128x128xf32, #tpu.memory_space<vmem>>) dst(%dma_wait3A_504 : memref<10000x128xf32, #tpu.memory_space<vmem_shared>>)
      %add3A_505 = arith.constant 3 : i32
      %add3A_506 = arith.addi %add3A_497, %add3A_505 : i32
      %min3A_507 = arith.constant 77 : i32
      %min3A_508 = arith.minsi %add3A_506, %min3A_507 : i32
      %add3A_509 = arith.addi %min3A_508, %mul3A_4 : i32
      %mul3A_510 = arith.constant 128 : i32
      %mul3A_511 = arith.muli %add3A_509, %mul3A_510 : i32
      %dma_start3A_512 = arith.constant 0 : i32
      %dma_start3A_513 = tpu.memref_slice %arg3[%dma_start3A_512, %mul3A_511] : memref<2x320000xi32, #tpu.memory_space<hbm>> -> memref<2x128xi32, #tpu.memory_space<hbm>>
      %dma_start3A_514 = arith.constant 0 : i32
      %dma_start3A_515 = tpu.memref_slice %arg3[%dma_start3A_514, %mul3A_511] : memref<2x320000xi32, #tpu.memory_space<hbm>> -> memref<2x128xi32, #tpu.memory_space<hbm>>
      tpu.enqueue_dma source(%dma_start3A_515 : memref<2x128xi32, #tpu.memory_space<hbm>>) target(%arg8 : memref<2x128xi32, #tpu.memory_space<vmem>>) target_semaphore(%arg16 : memref<!tpu.dma_semaphore, #tpu.memory_space<semaphore_mem>>)
      %dma_wait3A_516 = arith.constant 0 : i32
      %dma_wait3A_517 = arith.constant 0 : i32
      %dma_wait3A_518 = tpu.memref_slice %arg3[%dma_wait3A_516, %dma_wait3A_517] : memref<2x320000xi32, #tpu.memory_space<hbm>> -> memref<2x128xi32, #tpu.memory_space<hbm>>
      %dma_wait3A_519 = arith.constant 0 : i32
      %dma_wait3A_520 = arith.constant 0 : i32
      %dma_wait3A_521 = tpu.memref_slice %arg3[%dma_wait3A_519, %dma_wait3A_520] : memref<2x320000xi32, #tpu.memory_space<hbm>> -> memref<2x128xi32, #tpu.memory_space<hbm>>
      tpu.wait_dma2 semaphore(%arg15 : memref<!tpu.dma_semaphore, #tpu.memory_space<semaphore_mem>>) src(%dma_wait3A_521 : memref<2x128xi32, #tpu.memory_space<hbm>>) dst(%arg7 : memref<2x128xi32, #tpu.memory_space<vmem>>)
      %dma_start3A_522 = arith.constant 0 : i32
      %dma_start3A_523 = arith.constant 0 : i32
      %dma_start3A_524 = tpu.memref_slice %arg7[%dma_start3A_522, %dma_start3A_523] : memref<2x128xi32, #tpu.memory_space<vmem>> -> memref<1x128xi32, #tpu.memory_space<vmem>>
      %dma_start3A_525 = tpu.memref_squeeze %dma_start3A_524 : memref<1x128xi32, #tpu.memory_space<vmem>> -> memref<128xi32, #tpu.memory_space<vmem>>
      %dma_start3A_526 = arith.constant 0 : i32
      %dma_start3A_527 = arith.constant 0 : i32
      %dma_start3A_528 = tpu.memref_slice %arg2[%dma_start3A_526, %dma_start3A_527] : memref<10000x128xf32, #tpu.memory_space<hbm>> -> memref<10000x128xf32, #tpu.memory_space<hbm>>
      tpu.enqueue_indirect_dma source(%dma_start3A_528 : memref<10000x128xf32, #tpu.memory_space<hbm>>) target(%arg10 : memref<128x128xf32, #tpu.memory_space<vmem>>) offsets(%dma_start3A_525 : memref<128xi32, #tpu.memory_space<vmem>>) semaphore(%arg18 : memref<!tpu.dma_semaphore, #tpu.memory_space<semaphore_mem>>)
      %dma_wait3A_529 = arith.constant 0 : i32
      %dma_wait3A_530 = arith.constant 0 : i32
      %dma_wait3A_531 = tpu.memref_slice %arg5[%dma_wait3A_529, %dma_wait3A_530] : memref<2x128xi32, #tpu.memory_space<vmem>> -> memref<1x128xi32, #tpu.memory_space<vmem>>
      %dma_wait3A_532 = tpu.memref_squeeze %dma_wait3A_531 : memref<1x128xi32, #tpu.memory_space<vmem>> -> memref<128xi32, #tpu.memory_space<vmem>>
      %dma_wait3A_533 = arith.constant 0 : i32
      %dma_wait3A_534 = arith.constant 0 : i32
      %dma_wait3A_535 = tpu.memref_slice %arg2[%dma_wait3A_533, %dma_wait3A_534] : memref<10000x128xf32, #tpu.memory_space<hbm>> -> memref<10000x128xf32, #tpu.memory_space<hbm>>
      tpu.wait_indirect_dma semaphore(%arg19 : memref<!tpu.dma_semaphore, #tpu.memory_space<semaphore_mem>>) src(%dma_wait3A_535 : memref<10000x128xf32, #tpu.memory_space<hbm>>) dst(%arg11 : memref<128x128xf32, #tpu.memory_space<vmem>>)
      %dma_start3A_536 = arith.constant 1 : i32
      %dma_start3A_537 = arith.constant 0 : i32
      %dma_start3A_538 = tpu.memref_slice %arg5[%dma_start3A_536, %dma_start3A_537] : memref<2x128xi32, #tpu.memory_space<vmem>> -> memref<1x128xi32, #tpu.memory_space<vmem>>
      %dma_start3A_539 = tpu.memref_squeeze %dma_start3A_538 : memref<1x128xi32, #tpu.memory_space<vmem>> -> memref<128xi32, #tpu.memory_space<vmem>>
      %dma_start3A_540 = arith.constant 0 : i32
      %dma_start3A_541 = arith.constant 0 : i32
      %dma_start3A_542 = tpu.memref_slice %arg12[%dma_start3A_540, %dma_start3A_541] : memref<10000x128xf32, #tpu.memory_space<vmem_shared>> -> memref<10000x128xf32, #tpu.memory_space<vmem_shared>>
      tpu.enqueue_indirect_dma source(%arg11 : memref<128x128xf32, #tpu.memory_space<vmem>>) target(%dma_start3A_542 : memref<10000x128xf32, #tpu.memory_space<vmem_shared>>) offsets(%dma_start3A_539 : memref<128xi32, #tpu.memory_space<vmem>>) semaphore(%arg22 : memref<!tpu.dma_semaphore, #tpu.memory_space<semaphore_mem>>) {add = true}
      %mul3A_543 = arith.constant 12 : i32
      %mul3A_544 = arith.muli %mul3A_543, %scan3A_287 : i32
      %add3A_545 = arith.constant 4 : i32
      %add3A_546 = arith.addi %mul3A_544, %add3A_545 : i32
      %add3A_547 = arith.constant 5 : i32
      %add3A_548 = arith.addi %add3A_546, %add3A_547 : i32
      %dma_wait3A_549 = arith.constant 1 : i32
      %dma_wait3A_550 = arith.constant 0 : i32
      %dma_wait3A_551 = tpu.memref_slice %arg5[%dma_wait3A_549, %dma_wait3A_550] : memref<2x128xi32, #tpu.memory_space<vmem>> -> memref<1x128xi32, #tpu.memory_space<vmem>>
      %dma_wait3A_552 = tpu.memref_squeeze %dma_wait3A_551 : memref<1x128xi32, #tpu.memory_space<vmem>> -> memref<128xi32, #tpu.memory_space<vmem>>
      %dma_wait3A_553 = arith.constant 0 : i32
      %dma_wait3A_554 = arith.constant 0 : i32
      %dma_wait3A_555 = tpu.memref_slice %arg12[%dma_wait3A_553, %dma_wait3A_554] : memref<10000x128xf32, #tpu.memory_space<vmem_shared>> -> memref<10000x128xf32, #tpu.memory_space<vmem_shared>>
      tpu.wait_indirect_dma semaphore(%arg22 : memref<!tpu.dma_semaphore, #tpu.memory_space<semaphore_mem>>) src(%arg11 : memref<128x128xf32, #tpu.memory_space<vmem>>) dst(%dma_wait3A_555 : memref<10000x128xf32, #tpu.memory_space<vmem_shared>>)
      %add3A_556 = arith.constant 3 : i32
      %add3A_557 = arith.addi %add3A_548, %add3A_556 : i32
      %min3A_558 = arith.constant 77 : i32
      %min3A_559 = arith.minsi %add3A_557, %min3A_558 : i32
      %add3A_560 = arith.addi %min3A_559, %mul3A_4 : i32
      %mul3A_561 = arith.constant 128 : i32
      %mul3A_562 = arith.muli %add3A_560, %mul3A_561 : i32
      %dma_start3A_563 = arith.constant 0 : i32
      %dma_start3A_564 = tpu.memref_slice %arg3[%dma_start3A_563, %mul3A_562] : memref<2x320000xi32, #tpu.memory_space<hbm>> -> memref<2x128xi32, #tpu.memory_space<hbm>>
      %dma_start3A_565 = arith.constant 0 : i32
      %dma_start3A_566 = tpu.memref_slice %arg3[%dma_start3A_565, %mul3A_562] : memref<2x320000xi32, #tpu.memory_space<hbm>> -> memref<2x128xi32, #tpu.memory_space<hbm>>
      tpu.enqueue_dma source(%dma_start3A_566 : memref<2x128xi32, #tpu.memory_space<hbm>>) target(%arg5 : memref<2x128xi32, #tpu.memory_space<vmem>>) target_semaphore(%arg13 : memref<!tpu.dma_semaphore, #tpu.memory_space<semaphore_mem>>)
      %dma_wait3A_567 = arith.constant 0 : i32
      %dma_wait3A_568 = arith.constant 0 : i32
      %dma_wait3A_569 = tpu.memref_slice %arg3[%dma_wait3A_567, %dma_wait3A_568] : memref<2x320000xi32, #tpu.memory_space<hbm>> -> memref<2x128xi32, #tpu.memory_space<hbm>>
      %dma_wait3A_570 = arith.constant 0 : i32
      %dma_wait3A_571 = arith.constant 0 : i32
      %dma_wait3A_572 = tpu.memref_slice %arg3[%dma_wait3A_570, %dma_wait3A_571] : memref<2x320000xi32, #tpu.memory_space<hbm>> -> memref<2x128xi32, #tpu.memory_space<hbm>>
      tpu.wait_dma2 semaphore(%arg16 : memref<!tpu.dma_semaphore, #tpu.memory_space<semaphore_mem>>) src(%dma_wait3A_572 : memref<2x128xi32, #tpu.memory_space<hbm>>) dst(%arg8 : memref<2x128xi32, #tpu.memory_space<vmem>>)
      %dma_start3A_573 = arith.constant 0 : i32
      %dma_start3A_574 = arith.constant 0 : i32
      %dma_start3A_575 = tpu.memref_slice %arg8[%dma_start3A_573, %dma_start3A_574] : memref<2x128xi32, #tpu.memory_space<vmem>> -> memref<1x128xi32, #tpu.memory_space<vmem>>
      %dma_start3A_576 = tpu.memref_squeeze %dma_start3A_575 : memref<1x128xi32, #tpu.memory_space<vmem>> -> memref<128xi32, #tpu.memory_space<vmem>>
      %dma_start3A_577 = arith.constant 0 : i32
      %dma_start3A_578 = arith.constant 0 : i32
      %dma_start3A_579 = tpu.memref_slice %arg2[%dma_start3A_577, %dma_start3A_578] : memref<10000x128xf32, #tpu.memory_space<hbm>> -> memref<10000x128xf32, #tpu.memory_space<hbm>>
      tpu.enqueue_indirect_dma source(%dma_start3A_579 : memref<10000x128xf32, #tpu.memory_space<hbm>>) target(%arg11 : memref<128x128xf32, #tpu.memory_space<vmem>>) offsets(%dma_start3A_576 : memref<128xi32, #tpu.memory_space<vmem>>) semaphore(%arg19 : memref<!tpu.dma_semaphore, #tpu.memory_space<semaphore_mem>>)
      %dma_wait3A_580 = arith.constant 0 : i32
      %dma_wait3A_581 = arith.constant 0 : i32
      %dma_wait3A_582 = tpu.memref_slice %arg6[%dma_wait3A_580, %dma_wait3A_581] : memref<2x128xi32, #tpu.memory_space<vmem>> -> memref<1x128xi32, #tpu.memory_space<vmem>>
      %dma_wait3A_583 = tpu.memref_squeeze %dma_wait3A_582 : memref<1x128xi32, #tpu.memory_space<vmem>> -> memref<128xi32, #tpu.memory_space<vmem>>
      %dma_wait3A_584 = arith.constant 0 : i32
      %dma_wait3A_585 = arith.constant 0 : i32
      %dma_wait3A_586 = tpu.memref_slice %arg2[%dma_wait3A_584, %dma_wait3A_585] : memref<10000x128xf32, #tpu.memory_space<hbm>> -> memref<10000x128xf32, #tpu.memory_space<hbm>>
      tpu.wait_indirect_dma semaphore(%arg17 : memref<!tpu.dma_semaphore, #tpu.memory_space<semaphore_mem>>) src(%dma_wait3A_586 : memref<10000x128xf32, #tpu.memory_space<hbm>>) dst(%arg9 : memref<128x128xf32, #tpu.memory_space<vmem>>)
      %dma_start3A_587 = arith.constant 1 : i32
      %dma_start3A_588 = arith.constant 0 : i32
      %dma_start3A_589 = tpu.memref_slice %arg6[%dma_start3A_587, %dma_start3A_588] : memref<2x128xi32, #tpu.memory_space<vmem>> -> memref<1x128xi32, #tpu.memory_space<vmem>>
      %dma_start3A_590 = tpu.memref_squeeze %dma_start3A_589 : memref<1x128xi32, #tpu.memory_space<vmem>> -> memref<128xi32, #tpu.memory_space<vmem>>
      %dma_start3A_591 = arith.constant 0 : i32
      %dma_start3A_592 = arith.constant 0 : i32
      %dma_start3A_593 = tpu.memref_slice %arg12[%dma_start3A_591, %dma_start3A_592] : memref<10000x128xf32, #tpu.memory_space<vmem_shared>> -> memref<10000x128xf32, #tpu.memory_space<vmem_shared>>
      tpu.enqueue_indirect_dma source(%arg9 : memref<128x128xf32, #tpu.memory_space<vmem>>) target(%dma_start3A_593 : memref<10000x128xf32, #tpu.memory_space<vmem_shared>>) offsets(%dma_start3A_590 : memref<128xi32, #tpu.memory_space<vmem>>) semaphore(%arg20 : memref<!tpu.dma_semaphore, #tpu.memory_space<semaphore_mem>>) {add = true}
      %mul3A_594 = arith.constant 12 : i32
      %mul3A_595 = arith.muli %mul3A_594, %scan3A_287 : i32
      %add3A_596 = arith.constant 4 : i32
      %add3A_597 = arith.addi %mul3A_595, %add3A_596 : i32
      %add3A_598 = arith.constant 6 : i32
      %add3A_599 = arith.addi %add3A_597, %add3A_598 : i32
      %dma_wait3A_600 = arith.constant 1 : i32
      %dma_wait3A_601 = arith.constant 0 : i32
      %dma_wait3A_602 = tpu.memref_slice %arg6[%dma_wait3A_600, %dma_wait3A_601] : memref<2x128xi32, #tpu.memory_space<vmem>> -> memref<1x128xi32, #tpu.memory_space<vmem>>
      %dma_wait3A_603 = tpu.memref_squeeze %dma_wait3A_602 : memref<1x128xi32, #tpu.memory_space<vmem>> -> memref<128xi32, #tpu.memory_space<vmem>>
      %dma_wait3A_604 = arith.constant 0 : i32
      %dma_wait3A_605 = arith.constant 0 : i32
      %dma_wait3A_606 = tpu.memref_slice %arg12[%dma_wait3A_604, %dma_wait3A_605] : memref<10000x128xf32, #tpu.memory_space<vmem_shared>> -> memref<10000x128xf32, #tpu.memory_space<vmem_shared>>
      tpu.wait_indirect_dma semaphore(%arg20 : memref<!tpu.dma_semaphore, #tpu.memory_space<semaphore_mem>>) src(%arg9 : memref<128x128xf32, #tpu.memory_space<vmem>>) dst(%dma_wait3A_606 : memref<10000x128xf32, #tpu.memory_space<vmem_shared>>)
      %add3A_607 = arith.constant 3 : i32
      %add3A_608 = arith.addi %add3A_599, %add3A_607 : i32
      %min3A_609 = arith.constant 77 : i32
      %min3A_610 = arith.minsi %add3A_608, %min3A_609 : i32
      %add3A_611 = arith.addi %min3A_610, %mul3A_4 : i32
      %mul3A_612 = arith.constant 128 : i32
      %mul3A_613 = arith.muli %add3A_611, %mul3A_612 : i32
      %dma_start3A_614 = arith.constant 0 : i32
      %dma_start3A_615 = tpu.memref_slice %arg3[%dma_start3A_614, %mul3A_613] : memref<2x320000xi32, #tpu.memory_space<hbm>> -> memref<2x128xi32, #tpu.memory_space<hbm>>
      %dma_start3A_616 = arith.constant 0 : i32
      %dma_start3A_617 = tpu.memref_slice %arg3[%dma_start3A_616, %mul3A_613] : memref<2x320000xi32, #tpu.memory_space<hbm>> -> memref<2x128xi32, #tpu.memory_space<hbm>>
      tpu.enqueue_dma source(%dma_start3A_617 : memref<2x128xi32, #tpu.memory_space<hbm>>) target(%arg6 : memref<2x128xi32, #tpu.memory_space<vmem>>) target_semaphore(%arg14 : memref<!tpu.dma_semaphore, #tpu.memory_space<semaphore_mem>>)
      %dma_wait3A_618 = arith.constant 0 : i32
      %dma_wait3A_619 = arith.constant 0 : i32
      %dma_wait3A_620 = tpu.memref_slice %arg3[%dma_wait3A_618, %dma_wait3A_619] : memref<2x320000xi32, #tpu.memory_space<hbm>> -> memref<2x128xi32, #tpu.memory_space<hbm>>
      %dma_wait3A_621 = arith.constant 0 : i32
      %dma_wait3A_622 = arith.constant 0 : i32
      %dma_wait3A_623 = tpu.memref_slice %arg3[%dma_wait3A_621, %dma_wait3A_622] : memref<2x320000xi32, #tpu.memory_space<hbm>> -> memref<2x128xi32, #tpu.memory_space<hbm>>
      tpu.wait_dma2 semaphore(%arg13 : memref<!tpu.dma_semaphore, #tpu.memory_space<semaphore_mem>>) src(%dma_wait3A_623 : memref<2x128xi32, #tpu.memory_space<hbm>>) dst(%arg5 : memref<2x128xi32, #tpu.memory_space<vmem>>)
      %dma_start3A_624 = arith.constant 0 : i32
      %dma_start3A_625 = arith.constant 0 : i32
      %dma_start3A_626 = tpu.memref_slice %arg5[%dma_start3A_624, %dma_start3A_625] : memref<2x128xi32, #tpu.memory_space<vmem>> -> memref<1x128xi32, #tpu.memory_space<vmem>>
      %dma_start3A_627 = tpu.memref_squeeze %dma_start3A_626 : memref<1x128xi32, #tpu.memory_space<vmem>> -> memref<128xi32, #tpu.memory_space<vmem>>
      %dma_start3A_628 = arith.constant 0 : i32
      %dma_start3A_629 = arith.constant 0 : i32
      %dma_start3A_630 = tpu.memref_slice %arg2[%dma_start3A_628, %dma_start3A_629] : memref<10000x128xf32, #tpu.memory_space<hbm>> -> memref<10000x128xf32, #tpu.memory_space<hbm>>
      tpu.enqueue_indirect_dma source(%dma_start3A_630 : memref<10000x128xf32, #tpu.memory_space<hbm>>) target(%arg9 : memref<128x128xf32, #tpu.memory_space<vmem>>) offsets(%dma_start3A_627 : memref<128xi32, #tpu.memory_space<vmem>>) semaphore(%arg17 : memref<!tpu.dma_semaphore, #tpu.memory_space<semaphore_mem>>)
      %dma_wait3A_631 = arith.constant 0 : i32
      %dma_wait3A_632 = arith.constant 0 : i32
      %dma_wait3A_633 = tpu.memref_slice %arg7[%dma_wait3A_631, %dma_wait3A_632] : memref<2x128xi32, #tpu.memory_space<vmem>> -> memref<1x128xi32, #tpu.memory_space<vmem>>
      %dma_wait3A_634 = tpu.memref_squeeze %dma_wait3A_633 : memref<1x128xi32, #tpu.memory_space<vmem>> -> memref<128xi32, #tpu.memory_space<vmem>>
      %dma_wait3A_635 = arith.constant 0 : i32
      %dma_wait3A_636 = arith.constant 0 : i32
      %dma_wait3A_637 = tpu.memref_slice %arg2[%dma_wait3A_635, %dma_wait3A_636] : memref<10000x128xf32, #tpu.memory_space<hbm>> -> memref<10000x128xf32, #tpu.memory_space<hbm>>
      tpu.wait_indirect_dma semaphore(%arg18 : memref<!tpu.dma_semaphore, #tpu.memory_space<semaphore_mem>>) src(%dma_wait3A_637 : memref<10000x128xf32, #tpu.memory_space<hbm>>) dst(%arg10 : memref<128x128xf32, #tpu.memory_space<vmem>>)
      %dma_start3A_638 = arith.constant 1 : i32
      %dma_start3A_639 = arith.constant 0 : i32
      %dma_start3A_640 = tpu.memref_slice %arg7[%dma_start3A_638, %dma_start3A_639] : memref<2x128xi32, #tpu.memory_space<vmem>> -> memref<1x128xi32, #tpu.memory_space<vmem>>
      %dma_start3A_641 = tpu.memref_squeeze %dma_start3A_640 : memref<1x128xi32, #tpu.memory_space<vmem>> -> memref<128xi32, #tpu.memory_space<vmem>>
      %dma_start3A_642 = arith.constant 0 : i32
      %dma_start3A_643 = arith.constant 0 : i32
      %dma_start3A_644 = tpu.memref_slice %arg12[%dma_start3A_642, %dma_start3A_643] : memref<10000x128xf32, #tpu.memory_space<vmem_shared>> -> memref<10000x128xf32, #tpu.memory_space<vmem_shared>>
      tpu.enqueue_indirect_dma source(%arg10 : memref<128x128xf32, #tpu.memory_space<vmem>>) target(%dma_start3A_644 : memref<10000x128xf32, #tpu.memory_space<vmem_shared>>) offsets(%dma_start3A_641 : memref<128xi32, #tpu.memory_space<vmem>>) semaphore(%arg21 : memref<!tpu.dma_semaphore, #tpu.memory_space<semaphore_mem>>) {add = true}
      %mul3A_645 = arith.constant 12 : i32
      %mul3A_646 = arith.muli %mul3A_645, %scan3A_287 : i32
      %add3A_647 = arith.constant 4 : i32
      %add3A_648 = arith.addi %mul3A_646, %add3A_647 : i32
      %add3A_649 = arith.constant 7 : i32
      %add3A_650 = arith.addi %add3A_648, %add3A_649 : i32
      %dma_wait3A_651 = arith.constant 1 : i32
      %dma_wait3A_652 = arith.constant 0 : i32
      %dma_wait3A_653 = tpu.memref_slice %arg7[%dma_wait3A_651, %dma_wait3A_652] : memref<2x128xi32, #tpu.memory_space<vmem>> -> memref<1x128xi32, #tpu.memory_space<vmem>>
      %dma_wait3A_654 = tpu.memref_squeeze %dma_wait3A_653 : memref<1x128xi32, #tpu.memory_space<vmem>> -> memref<128xi32, #tpu.memory_space<vmem>>
      %dma_wait3A_655 = arith.constant 0 : i32
      %dma_wait3A_656 = arith.constant 0 : i32
      %dma_wait3A_657 = tpu.memref_slice %arg12[%dma_wait3A_655, %dma_wait3A_656] : memref<10000x128xf32, #tpu.memory_space<vmem_shared>> -> memref<10000x128xf32, #tpu.memory_space<vmem_shared>>
      tpu.wait_indirect_dma semaphore(%arg21 : memref<!tpu.dma_semaphore, #tpu.memory_space<semaphore_mem>>) src(%arg10 : memref<128x128xf32, #tpu.memory_space<vmem>>) dst(%dma_wait3A_657 : memref<10000x128xf32, #tpu.memory_space<vmem_shared>>)
      %add3A_658 = arith.constant 3 : i32
      %add3A_659 = arith.addi %add3A_650, %add3A_658 : i32
      %min3A_660 = arith.constant 77 : i32
      %min3A_661 = arith.minsi %add3A_659, %min3A_660 : i32
      %add3A_662 = arith.addi %min3A_661, %mul3A_4 : i32
      %mul3A_663 = arith.constant 128 : i32
      %mul3A_664 = arith.muli %add3A_662, %mul3A_663 : i32
      %dma_start3A_665 = arith.constant 0 : i32
      %dma_start3A_666 = tpu.memref_slice %arg3[%dma_start3A_665, %mul3A_664] : memref<2x320000xi32, #tpu.memory_space<hbm>> -> memref<2x128xi32, #tpu.memory_space<hbm>>
      %dma_start3A_667 = arith.constant 0 : i32
      %dma_start3A_668 = tpu.memref_slice %arg3[%dma_start3A_667, %mul3A_664] : memref<2x320000xi32, #tpu.memory_space<hbm>> -> memref<2x128xi32, #tpu.memory_space<hbm>>
      tpu.enqueue_dma source(%dma_start3A_668 : memref<2x128xi32, #tpu.memory_space<hbm>>) target(%arg7 : memref<2x128xi32, #tpu.memory_space<vmem>>) target_semaphore(%arg15 : memref<!tpu.dma_semaphore, #tpu.memory_space<semaphore_mem>>)
      %dma_wait3A_669 = arith.constant 0 : i32
      %dma_wait3A_670 = arith.constant 0 : i32
      %dma_wait3A_671 = tpu.memref_slice %arg3[%dma_wait3A_669, %dma_wait3A_670] : memref<2x320000xi32, #tpu.memory_space<hbm>> -> memref<2x128xi32, #tpu.memory_space<hbm>>
      %dma_wait3A_672 = arith.constant 0 : i32
      %dma_wait3A_673 = arith.constant 0 : i32
      %dma_wait3A_674 = tpu.memref_slice %arg3[%dma_wait3A_672, %dma_wait3A_673] : memref<2x320000xi32, #tpu.memory_space<hbm>> -> memref<2x128xi32, #tpu.memory_space<hbm>>
      tpu.wait_dma2 semaphore(%arg14 : memref<!tpu.dma_semaphore, #tpu.memory_space<semaphore_mem>>) src(%dma_wait3A_674 : memref<2x128xi32, #tpu.memory_space<hbm>>) dst(%arg6 : memref<2x128xi32, #tpu.memory_space<vmem>>)
      %dma_start3A_675 = arith.constant 0 : i32
      %dma_start3A_676 = arith.constant 0 : i32
      %dma_start3A_677 = tpu.memref_slice %arg6[%dma_start3A_675, %dma_start3A_676] : memref<2x128xi32, #tpu.memory_space<vmem>> -> memref<1x128xi32, #tpu.memory_space<vmem>>
      %dma_start3A_678 = tpu.memref_squeeze %dma_start3A_677 : memref<1x128xi32, #tpu.memory_space<vmem>> -> memref<128xi32, #tpu.memory_space<vmem>>
      %dma_start3A_679 = arith.constant 0 : i32
      %dma_start3A_680 = arith.constant 0 : i32
      %dma_start3A_681 = tpu.memref_slice %arg2[%dma_start3A_679, %dma_start3A_680] : memref<10000x128xf32, #tpu.memory_space<hbm>> -> memref<10000x128xf32, #tpu.memory_space<hbm>>
      tpu.enqueue_indirect_dma source(%dma_start3A_681 : memref<10000x128xf32, #tpu.memory_space<hbm>>) target(%arg10 : memref<128x128xf32, #tpu.memory_space<vmem>>) offsets(%dma_start3A_678 : memref<128xi32, #tpu.memory_space<vmem>>) semaphore(%arg18 : memref<!tpu.dma_semaphore, #tpu.memory_space<semaphore_mem>>)
      %dma_wait3A_682 = arith.constant 0 : i32
      %dma_wait3A_683 = arith.constant 0 : i32
      %dma_wait3A_684 = tpu.memref_slice %arg8[%dma_wait3A_682, %dma_wait3A_683] : memref<2x128xi32, #tpu.memory_space<vmem>> -> memref<1x128xi32, #tpu.memory_space<vmem>>
      %dma_wait3A_685 = tpu.memref_squeeze %dma_wait3A_684 : memref<1x128xi32, #tpu.memory_space<vmem>> -> memref<128xi32, #tpu.memory_space<vmem>>
      %dma_wait3A_686 = arith.constant 0 : i32
      %dma_wait3A_687 = arith.constant 0 : i32
      %dma_wait3A_688 = tpu.memref_slice %arg2[%dma_wait3A_686, %dma_wait3A_687] : memref<10000x128xf32, #tpu.memory_space<hbm>> -> memref<10000x128xf32, #tpu.memory_space<hbm>>
      tpu.wait_indirect_dma semaphore(%arg19 : memref<!tpu.dma_semaphore, #tpu.memory_space<semaphore_mem>>) src(%dma_wait3A_688 : memref<10000x128xf32, #tpu.memory_space<hbm>>) dst(%arg11 : memref<128x128xf32, #tpu.memory_space<vmem>>)
      %dma_start3A_689 = arith.constant 1 : i32
      %dma_start3A_690 = arith.constant 0 : i32
      %dma_start3A_691 = tpu.memref_slice %arg8[%dma_start3A_689, %dma_start3A_690] : memref<2x128xi32, #tpu.memory_space<vmem>> -> memref<1x128xi32, #tpu.memory_space<vmem>>
      %dma_start3A_692 = tpu.memref_squeeze %dma_start3A_691 : memref<1x128xi32, #tpu.memory_space<vmem>> -> memref<128xi32, #tpu.memory_space<vmem>>
      %dma_start3A_693 = arith.constant 0 : i32
      %dma_start3A_694 = arith.constant 0 : i32
      %dma_start3A_695 = tpu.memref_slice %arg12[%dma_start3A_693, %dma_start3A_694] : memref<10000x128xf32, #tpu.memory_space<vmem_shared>> -> memref<10000x128xf32, #tpu.memory_space<vmem_shared>>
      tpu.enqueue_indirect_dma source(%arg11 : memref<128x128xf32, #tpu.memory_space<vmem>>) target(%dma_start3A_695 : memref<10000x128xf32, #tpu.memory_space<vmem_shared>>) offsets(%dma_start3A_692 : memref<128xi32, #tpu.memory_space<vmem>>) semaphore(%arg22 : memref<!tpu.dma_semaphore, #tpu.memory_space<semaphore_mem>>) {add = true}
      %mul3A_696 = arith.constant 12 : i32
      %mul3A_697 = arith.muli %mul3A_696, %scan3A_287 : i32
      %add3A_698 = arith.constant 4 : i32
      %add3A_699 = arith.addi %mul3A_697, %add3A_698 : i32
      %add3A_700 = arith.constant 8 : i32
      %add3A_701 = arith.addi %add3A_699, %add3A_700 : i32
      %dma_wait3A_702 = arith.constant 1 : i32
      %dma_wait3A_703 = arith.constant 0 : i32
      %dma_wait3A_704 = tpu.memref_slice %arg8[%dma_wait3A_702, %dma_wait3A_703] : memref<2x128xi32, #tpu.memory_space<vmem>> -> memref<1x128xi32, #tpu.memory_space<vmem>>
      %dma_wait3A_705 = tpu.memref_squeeze %dma_wait3A_704 : memref<1x128xi32, #tpu.memory_space<vmem>> -> memref<128xi32, #tpu.memory_space<vmem>>
      %dma_wait3A_706 = arith.constant 0 : i32
      %dma_wait3A_707 = arith.constant 0 : i32
      %dma_wait3A_708 = tpu.memref_slice %arg12[%dma_wait3A_706, %dma_wait3A_707] : memref<10000x128xf32, #tpu.memory_space<vmem_shared>> -> memref<10000x128xf32, #tpu.memory_space<vmem_shared>>
      tpu.wait_indirect_dma semaphore(%arg22 : memref<!tpu.dma_semaphore, #tpu.memory_space<semaphore_mem>>) src(%arg11 : memref<128x128xf32, #tpu.memory_space<vmem>>) dst(%dma_wait3A_708 : memref<10000x128xf32, #tpu.memory_space<vmem_shared>>)
      %add3A_709 = arith.constant 3 : i32
      %add3A_710 = arith.addi %add3A_701, %add3A_709 : i32
      %min3A_711 = arith.constant 77 : i32
      %min3A_712 = arith.minsi %add3A_710, %min3A_711 : i32
      %add3A_713 = arith.addi %min3A_712, %mul3A_4 : i32
      %mul3A_714 = arith.constant 128 : i32
      %mul3A_715 = arith.muli %add3A_713, %mul3A_714 : i32
      %dma_start3A_716 = arith.constant 0 : i32
      %dma_start3A_717 = tpu.memref_slice %arg3[%dma_start3A_716, %mul3A_715] : memref<2x320000xi32, #tpu.memory_space<hbm>> -> memref<2x128xi32, #tpu.memory_space<hbm>>
      %dma_start3A_718 = arith.constant 0 : i32
      %dma_start3A_719 = tpu.memref_slice %arg3[%dma_start3A_718, %mul3A_715] : memref<2x320000xi32, #tpu.memory_space<hbm>> -> memref<2x128xi32, #tpu.memory_space<hbm>>
      tpu.enqueue_dma source(%dma_start3A_719 : memref<2x128xi32, #tpu.memory_space<hbm>>) target(%arg8 : memref<2x128xi32, #tpu.memory_space<vmem>>) target_semaphore(%arg16 : memref<!tpu.dma_semaphore, #tpu.memory_space<semaphore_mem>>)
      %dma_wait3A_720 = arith.constant 0 : i32
      %dma_wait3A_721 = arith.constant 0 : i32
      %dma_wait3A_722 = tpu.memref_slice %arg3[%dma_wait3A_720, %dma_wait3A_721] : memref<2x320000xi32, #tpu.memory_space<hbm>> -> memref<2x128xi32, #tpu.memory_space<hbm>>
      %dma_wait3A_723 = arith.constant 0 : i32
      %dma_wait3A_724 = arith.constant 0 : i32
      %dma_wait3A_725 = tpu.memref_slice %arg3[%dma_wait3A_723, %dma_wait3A_724] : memref<2x320000xi32, #tpu.memory_space<hbm>> -> memref<2x128xi32, #tpu.memory_space<hbm>>
      tpu.wait_dma2 semaphore(%arg15 : memref<!tpu.dma_semaphore, #tpu.memory_space<semaphore_mem>>) src(%dma_wait3A_725 : memref<2x128xi32, #tpu.memory_space<hbm>>) dst(%arg7 : memref<2x128xi32, #tpu.memory_space<vmem>>)
      %dma_start3A_726 = arith.constant 0 : i32
      %dma_start3A_727 = arith.constant 0 : i32
      %dma_start3A_728 = tpu.memref_slice %arg7[%dma_start3A_726, %dma_start3A_727] : memref<2x128xi32, #tpu.memory_space<vmem>> -> memref<1x128xi32, #tpu.memory_space<vmem>>
      %dma_start3A_729 = tpu.memref_squeeze %dma_start3A_728 : memref<1x128xi32, #tpu.memory_space<vmem>> -> memref<128xi32, #tpu.memory_space<vmem>>
      %dma_start3A_730 = arith.constant 0 : i32
      %dma_start3A_731 = arith.constant 0 : i32
      %dma_start3A_732 = tpu.memref_slice %arg2[%dma_start3A_730, %dma_start3A_731] : memref<10000x128xf32, #tpu.memory_space<hbm>> -> memref<10000x128xf32, #tpu.memory_space<hbm>>
      tpu.enqueue_indirect_dma source(%dma_start3A_732 : memref<10000x128xf32, #tpu.memory_space<hbm>>) target(%arg11 : memref<128x128xf32, #tpu.memory_space<vmem>>) offsets(%dma_start3A_729 : memref<128xi32, #tpu.memory_space<vmem>>) semaphore(%arg19 : memref<!tpu.dma_semaphore, #tpu.memory_space<semaphore_mem>>)
      %dma_wait3A_733 = arith.constant 0 : i32
      %dma_wait3A_734 = arith.constant 0 : i32
      %dma_wait3A_735 = tpu.memref_slice %arg5[%dma_wait3A_733, %dma_wait3A_734] : memref<2x128xi32, #tpu.memory_space<vmem>> -> memref<1x128xi32, #tpu.memory_space<vmem>>
      %dma_wait3A_736 = tpu.memref_squeeze %dma_wait3A_735 : memref<1x128xi32, #tpu.memory_space<vmem>> -> memref<128xi32, #tpu.memory_space<vmem>>
      %dma_wait3A_737 = arith.constant 0 : i32
      %dma_wait3A_738 = arith.constant 0 : i32
      %dma_wait3A_739 = tpu.memref_slice %arg2[%dma_wait3A_737, %dma_wait3A_738] : memref<10000x128xf32, #tpu.memory_space<hbm>> -> memref<10000x128xf32, #tpu.memory_space<hbm>>
      tpu.wait_indirect_dma semaphore(%arg17 : memref<!tpu.dma_semaphore, #tpu.memory_space<semaphore_mem>>) src(%dma_wait3A_739 : memref<10000x128xf32, #tpu.memory_space<hbm>>) dst(%arg9 : memref<128x128xf32, #tpu.memory_space<vmem>>)
      %dma_start3A_740 = arith.constant 1 : i32
      %dma_start3A_741 = arith.constant 0 : i32
      %dma_start3A_742 = tpu.memref_slice %arg5[%dma_start3A_740, %dma_start3A_741] : memref<2x128xi32, #tpu.memory_space<vmem>> -> memref<1x128xi32, #tpu.memory_space<vmem>>
      %dma_start3A_743 = tpu.memref_squeeze %dma_start3A_742 : memref<1x128xi32, #tpu.memory_space<vmem>> -> memref<128xi32, #tpu.memory_space<vmem>>
      %dma_start3A_744 = arith.constant 0 : i32
      %dma_start3A_745 = arith.constant 0 : i32
      %dma_start3A_746 = tpu.memref_slice %arg12[%dma_start3A_744, %dma_start3A_745] : memref<10000x128xf32, #tpu.memory_space<vmem_shared>> -> memref<10000x128xf32, #tpu.memory_space<vmem_shared>>
      tpu.enqueue_indirect_dma source(%arg9 : memref<128x128xf32, #tpu.memory_space<vmem>>) target(%dma_start3A_746 : memref<10000x128xf32, #tpu.memory_space<vmem_shared>>) offsets(%dma_start3A_743 : memref<128xi32, #tpu.memory_space<vmem>>) semaphore(%arg20 : memref<!tpu.dma_semaphore, #tpu.memory_space<semaphore_mem>>) {add = true}
      %mul3A_747 = arith.constant 12 : i32
      %mul3A_748 = arith.muli %mul3A_747, %scan3A_287 : i32
      %add3A_749 = arith.constant 4 : i32
      %add3A_750 = arith.addi %mul3A_748, %add3A_749 : i32
      %add3A_751 = arith.constant 9 : i32
      %add3A_752 = arith.addi %add3A_750, %add3A_751 : i32
      %dma_wait3A_753 = arith.constant 1 : i32
      %dma_wait3A_754 = arith.constant 0 : i32
      %dma_wait3A_755 = tpu.memref_slice %arg5[%dma_wait3A_753, %dma_wait3A_754] : memref<2x128xi32, #tpu.memory_space<vmem>> -> memref<1x128xi32, #tpu.memory_space<vmem>>
      %dma_wait3A_756 = tpu.memref_squeeze %dma_wait3A_755 : memref<1x128xi32, #tpu.memory_space<vmem>> -> memref<128xi32, #tpu.memory_space<vmem>>
      %dma_wait3A_757 = arith.constant 0 : i32
      %dma_wait3A_758 = arith.constant 0 : i32
      %dma_wait3A_759 = tpu.memref_slice %arg12[%dma_wait3A_757, %dma_wait3A_758] : memref<10000x128xf32, #tpu.memory_space<vmem_shared>> -> memref<10000x128xf32, #tpu.memory_space<vmem_shared>>
      tpu.wait_indirect_dma semaphore(%arg20 : memref<!tpu.dma_semaphore, #tpu.memory_space<semaphore_mem>>) src(%arg9 : memref<128x128xf32, #tpu.memory_space<vmem>>) dst(%dma_wait3A_759 : memref<10000x128xf32, #tpu.memory_space<vmem_shared>>)
      %add3A_760 = arith.constant 3 : i32
      %add3A_761 = arith.addi %add3A_752, %add3A_760 : i32
      %min3A_762 = arith.constant 77 : i32
      %min3A_763 = arith.minsi %add3A_761, %min3A_762 : i32
      %add3A_764 = arith.addi %min3A_763, %mul3A_4 : i32
      %mul3A_765 = arith.constant 128 : i32
      %mul3A_766 = arith.muli %add3A_764, %mul3A_765 : i32
      %dma_start3A_767 = arith.constant 0 : i32
      %dma_start3A_768 = tpu.memref_slice %arg3[%dma_start3A_767, %mul3A_766] : memref<2x320000xi32, #tpu.memory_space<hbm>> -> memref<2x128xi32, #tpu.memory_space<hbm>>
      %dma_start3A_769 = arith.constant 0 : i32
      %dma_start3A_770 = tpu.memref_slice %arg3[%dma_start3A_769, %mul3A_766] : memref<2x320000xi32, #tpu.memory_space<hbm>> -> memref<2x128xi32, #tpu.memory_space<hbm>>
      tpu.enqueue_dma source(%dma_start3A_770 : memref<2x128xi32, #tpu.memory_space<hbm>>) target(%arg5 : memref<2x128xi32, #tpu.memory_space<vmem>>) target_semaphore(%arg13 : memref<!tpu.dma_semaphore, #tpu.memory_space<semaphore_mem>>)
      %dma_wait3A_771 = arith.constant 0 : i32
      %dma_wait3A_772 = arith.constant 0 : i32
      %dma_wait3A_773 = tpu.memref_slice %arg3[%dma_wait3A_771, %dma_wait3A_772] : memref<2x320000xi32, #tpu.memory_space<hbm>> -> memref<2x128xi32, #tpu.memory_space<hbm>>
      %dma_wait3A_774 = arith.constant 0 : i32
      %dma_wait3A_775 = arith.constant 0 : i32
      %dma_wait3A_776 = tpu.memref_slice %arg3[%dma_wait3A_774, %dma_wait3A_775] : memref<2x320000xi32, #tpu.memory_space<hbm>> -> memref<2x128xi32, #tpu.memory_space<hbm>>
      tpu.wait_dma2 semaphore(%arg16 : memref<!tpu.dma_semaphore, #tpu.memory_space<semaphore_mem>>) src(%dma_wait3A_776 : memref<2x128xi32, #tpu.memory_space<hbm>>) dst(%arg8 : memref<2x128xi32, #tpu.memory_space<vmem>>)
      %dma_start3A_777 = arith.constant 0 : i32
      %dma_start3A_778 = arith.constant 0 : i32
      %dma_start3A_779 = tpu.memref_slice %arg8[%dma_start3A_777, %dma_start3A_778] : memref<2x128xi32, #tpu.memory_space<vmem>> -> memref<1x128xi32, #tpu.memory_space<vmem>>
      %dma_start3A_780 = tpu.memref_squeeze %dma_start3A_779 : memref<1x128xi32, #tpu.memory_space<vmem>> -> memref<128xi32, #tpu.memory_space<vmem>>
      %dma_start3A_781 = arith.constant 0 : i32
      %dma_start3A_782 = arith.constant 0 : i32
      %dma_start3A_783 = tpu.memref_slice %arg2[%dma_start3A_781, %dma_start3A_782] : memref<10000x128xf32, #tpu.memory_space<hbm>> -> memref<10000x128xf32, #tpu.memory_space<hbm>>
      tpu.enqueue_indirect_dma source(%dma_start3A_783 : memref<10000x128xf32, #tpu.memory_space<hbm>>) target(%arg9 : memref<128x128xf32, #tpu.memory_space<vmem>>) offsets(%dma_start3A_780 : memref<128xi32, #tpu.memory_space<vmem>>) semaphore(%arg17 : memref<!tpu.dma_semaphore, #tpu.memory_space<semaphore_mem>>)
      %dma_wait3A_784 = arith.constant 0 : i32
      %dma_wait3A_785 = arith.constant 0 : i32
      %dma_wait3A_786 = tpu.memref_slice %arg6[%dma_wait3A_784, %dma_wait3A_785] : memref<2x128xi32, #tpu.memory_space<vmem>> -> memref<1x128xi32, #tpu.memory_space<vmem>>
      %dma_wait3A_787 = tpu.memref_squeeze %dma_wait3A_786 : memref<1x128xi32, #tpu.memory_space<vmem>> -> memref<128xi32, #tpu.memory_space<vmem>>
      %dma_wait3A_788 = arith.constant 0 : i32
      %dma_wait3A_789 = arith.constant 0 : i32
      %dma_wait3A_790 = tpu.memref_slice %arg2[%dma_wait3A_788, %dma_wait3A_789] : memref<10000x128xf32, #tpu.memory_space<hbm>> -> memref<10000x128xf32, #tpu.memory_space<hbm>>
      tpu.wait_indirect_dma semaphore(%arg18 : memref<!tpu.dma_semaphore, #tpu.memory_space<semaphore_mem>>) src(%dma_wait3A_790 : memref<10000x128xf32, #tpu.memory_space<hbm>>) dst(%arg10 : memref<128x128xf32, #tpu.memory_space<vmem>>)
      %dma_start3A_791 = arith.constant 1 : i32
      %dma_start3A_792 = arith.constant 0 : i32
      %dma_start3A_793 = tpu.memref_slice %arg6[%dma_start3A_791, %dma_start3A_792] : memref<2x128xi32, #tpu.memory_space<vmem>> -> memref<1x128xi32, #tpu.memory_space<vmem>>
      %dma_start3A_794 = tpu.memref_squeeze %dma_start3A_793 : memref<1x128xi32, #tpu.memory_space<vmem>> -> memref<128xi32, #tpu.memory_space<vmem>>
      %dma_start3A_795 = arith.constant 0 : i32
      %dma_start3A_796 = arith.constant 0 : i32
      %dma_start3A_797 = tpu.memref_slice %arg12[%dma_start3A_795, %dma_start3A_796] : memref<10000x128xf32, #tpu.memory_space<vmem_shared>> -> memref<10000x128xf32, #tpu.memory_space<vmem_shared>>
      tpu.enqueue_indirect_dma source(%arg10 : memref<128x128xf32, #tpu.memory_space<vmem>>) target(%dma_start3A_797 : memref<10000x128xf32, #tpu.memory_space<vmem_shared>>) offsets(%dma_start3A_794 : memref<128xi32, #tpu.memory_space<vmem>>) semaphore(%arg21 : memref<!tpu.dma_semaphore, #tpu.memory_space<semaphore_mem>>) {add = true}
      %mul3A_798 = arith.constant 12 : i32
      %mul3A_799 = arith.muli %mul3A_798, %scan3A_287 : i32
      %add3A_800 = arith.constant 4 : i32
      %add3A_801 = arith.addi %mul3A_799, %add3A_800 : i32
      %add3A_802 = arith.constant 10 : i32
      %add3A_803 = arith.addi %add3A_801, %add3A_802 : i32
      %dma_wait3A_804 = arith.constant 1 : i32
      %dma_wait3A_805 = arith.constant 0 : i32
      %dma_wait3A_806 = tpu.memref_slice %arg6[%dma_wait3A_804, %dma_wait3A_805] : memref<2x128xi32, #tpu.memory_space<vmem>> -> memref<1x128xi32, #tpu.memory_space<vmem>>
      %dma_wait3A_807 = tpu.memref_squeeze %dma_wait3A_806 : memref<1x128xi32, #tpu.memory_space<vmem>> -> memref<128xi32, #tpu.memory_space<vmem>>
      %dma_wait3A_808 = arith.constant 0 : i32
      %dma_wait3A_809 = arith.constant 0 : i32
      %dma_wait3A_810 = tpu.memref_slice %arg12[%dma_wait3A_808, %dma_wait3A_809] : memref<10000x128xf32, #tpu.memory_space<vmem_shared>> -> memref<10000x128xf32, #tpu.memory_space<vmem_shared>>
      tpu.wait_indirect_dma semaphore(%arg21 : memref<!tpu.dma_semaphore, #tpu.memory_space<semaphore_mem>>) src(%arg10 : memref<128x128xf32, #tpu.memory_space<vmem>>) dst(%dma_wait3A_810 : memref<10000x128xf32, #tpu.memory_space<vmem_shared>>)
      %add3A_811 = arith.constant 3 : i32
      %add3A_812 = arith.addi %add3A_803, %add3A_811 : i32
      %min3A_813 = arith.constant 77 : i32
      %min3A_814 = arith.minsi %add3A_812, %min3A_813 : i32
      %add3A_815 = arith.addi %min3A_814, %mul3A_4 : i32
      %mul3A_816 = arith.constant 128 : i32
      %mul3A_817 = arith.muli %add3A_815, %mul3A_816 : i32
      %dma_start3A_818 = arith.constant 0 : i32
      %dma_start3A_819 = tpu.memref_slice %arg3[%dma_start3A_818, %mul3A_817] : memref<2x320000xi32, #tpu.memory_space<hbm>> -> memref<2x128xi32, #tpu.memory_space<hbm>>
      %dma_start3A_820 = arith.constant 0 : i32
      %dma_start3A_821 = tpu.memref_slice %arg3[%dma_start3A_820, %mul3A_817] : memref<2x320000xi32, #tpu.memory_space<hbm>> -> memref<2x128xi32, #tpu.memory_space<hbm>>
      tpu.enqueue_dma source(%dma_start3A_821 : memref<2x128xi32, #tpu.memory_space<hbm>>) target(%arg6 : memref<2x128xi32, #tpu.memory_space<vmem>>) target_semaphore(%arg14 : memref<!tpu.dma_semaphore, #tpu.memory_space<semaphore_mem>>)
      %dma_wait3A_822 = arith.constant 0 : i32
      %dma_wait3A_823 = arith.constant 0 : i32
      %dma_wait3A_824 = tpu.memref_slice %arg3[%dma_wait3A_822, %dma_wait3A_823] : memref<2x320000xi32, #tpu.memory_space<hbm>> -> memref<2x128xi32, #tpu.memory_space<hbm>>
      %dma_wait3A_825 = arith.constant 0 : i32
      %dma_wait3A_826 = arith.constant 0 : i32
      %dma_wait3A_827 = tpu.memref_slice %arg3[%dma_wait3A_825, %dma_wait3A_826] : memref<2x320000xi32, #tpu.memory_space<hbm>> -> memref<2x128xi32, #tpu.memory_space<hbm>>
      tpu.wait_dma2 semaphore(%arg13 : memref<!tpu.dma_semaphore, #tpu.memory_space<semaphore_mem>>) src(%dma_wait3A_827 : memref<2x128xi32, #tpu.memory_space<hbm>>) dst(%arg5 : memref<2x128xi32, #tpu.memory_space<vmem>>)
      %dma_start3A_828 = arith.constant 0 : i32
      %dma_start3A_829 = arith.constant 0 : i32
      %dma_start3A_830 = tpu.memref_slice %arg5[%dma_start3A_828, %dma_start3A_829] : memref<2x128xi32, #tpu.memory_space<vmem>> -> memref<1x128xi32, #tpu.memory_space<vmem>>
      %dma_start3A_831 = tpu.memref_squeeze %dma_start3A_830 : memref<1x128xi32, #tpu.memory_space<vmem>> -> memref<128xi32, #tpu.memory_space<vmem>>
      %dma_start3A_832 = arith.constant 0 : i32
      %dma_start3A_833 = arith.constant 0 : i32
      %dma_start3A_834 = tpu.memref_slice %arg2[%dma_start3A_832, %dma_start3A_833] : memref<10000x128xf32, #tpu.memory_space<hbm>> -> memref<10000x128xf32, #tpu.memory_space<hbm>>
      tpu.enqueue_indirect_dma source(%dma_start3A_834 : memref<10000x128xf32, #tpu.memory_space<hbm>>) target(%arg10 : memref<128x128xf32, #tpu.memory_space<vmem>>) offsets(%dma_start3A_831 : memref<128xi32, #tpu.memory_space<vmem>>) semaphore(%arg18 : memref<!tpu.dma_semaphore, #tpu.memory_space<semaphore_mem>>)
      %dma_wait3A_835 = arith.constant 0 : i32
      %dma_wait3A_836 = arith.constant 0 : i32
      %dma_wait3A_837 = tpu.memref_slice %arg7[%dma_wait3A_835, %dma_wait3A_836] : memref<2x128xi32, #tpu.memory_space<vmem>> -> memref<1x128xi32, #tpu.memory_space<vmem>>
      %dma_wait3A_838 = tpu.memref_squeeze %dma_wait3A_837 : memref<1x128xi32, #tpu.memory_space<vmem>> -> memref<128xi32, #tpu.memory_space<vmem>>
      %dma_wait3A_839 = arith.constant 0 : i32
      %dma_wait3A_840 = arith.constant 0 : i32
      %dma_wait3A_841 = tpu.memref_slice %arg2[%dma_wait3A_839, %dma_wait3A_840] : memref<10000x128xf32, #tpu.memory_space<hbm>> -> memref<10000x128xf32, #tpu.memory_space<hbm>>
      tpu.wait_indirect_dma semaphore(%arg19 : memref<!tpu.dma_semaphore, #tpu.memory_space<semaphore_mem>>) src(%dma_wait3A_841 : memref<10000x128xf32, #tpu.memory_space<hbm>>) dst(%arg11 : memref<128x128xf32, #tpu.memory_space<vmem>>)
      %dma_start3A_842 = arith.constant 1 : i32
      %dma_start3A_843 = arith.constant 0 : i32
      %dma_start3A_844 = tpu.memref_slice %arg7[%dma_start3A_842, %dma_start3A_843] : memref<2x128xi32, #tpu.memory_space<vmem>> -> memref<1x128xi32, #tpu.memory_space<vmem>>
      %dma_start3A_845 = tpu.memref_squeeze %dma_start3A_844 : memref<1x128xi32, #tpu.memory_space<vmem>> -> memref<128xi32, #tpu.memory_space<vmem>>
      %dma_start3A_846 = arith.constant 0 : i32
      %dma_start3A_847 = arith.constant 0 : i32
      %dma_start3A_848 = tpu.memref_slice %arg12[%dma_start3A_846, %dma_start3A_847] : memref<10000x128xf32, #tpu.memory_space<vmem_shared>> -> memref<10000x128xf32, #tpu.memory_space<vmem_shared>>
      tpu.enqueue_indirect_dma source(%arg11 : memref<128x128xf32, #tpu.memory_space<vmem>>) target(%dma_start3A_848 : memref<10000x128xf32, #tpu.memory_space<vmem_shared>>) offsets(%dma_start3A_845 : memref<128xi32, #tpu.memory_space<vmem>>) semaphore(%arg22 : memref<!tpu.dma_semaphore, #tpu.memory_space<semaphore_mem>>) {add = true}
      %mul3A_849 = arith.constant 12 : i32
      %mul3A_850 = arith.muli %mul3A_849, %scan3A_287 : i32
      %add3A_851 = arith.constant 4 : i32
      %add3A_852 = arith.addi %mul3A_850, %add3A_851 : i32
      %add3A_853 = arith.constant 11 : i32
      %add3A_854 = arith.addi %add3A_852, %add3A_853 : i32
      %dma_wait3A_855 = arith.constant 1 : i32
      %dma_wait3A_856 = arith.constant 0 : i32
      %dma_wait3A_857 = tpu.memref_slice %arg7[%dma_wait3A_855, %dma_wait3A_856] : memref<2x128xi32, #tpu.memory_space<vmem>> -> memref<1x128xi32, #tpu.memory_space<vmem>>
      %dma_wait3A_858 = tpu.memref_squeeze %dma_wait3A_857 : memref<1x128xi32, #tpu.memory_space<vmem>> -> memref<128xi32, #tpu.memory_space<vmem>>
      %dma_wait3A_859 = arith.constant 0 : i32
      %dma_wait3A_860 = arith.constant 0 : i32
      %dma_wait3A_861 = tpu.memref_slice %arg12[%dma_wait3A_859, %dma_wait3A_860] : memref<10000x128xf32, #tpu.memory_space<vmem_shared>> -> memref<10000x128xf32, #tpu.memory_space<vmem_shared>>
      tpu.wait_indirect_dma semaphore(%arg22 : memref<!tpu.dma_semaphore, #tpu.memory_space<semaphore_mem>>) src(%arg11 : memref<128x128xf32, #tpu.memory_space<vmem>>) dst(%dma_wait3A_861 : memref<10000x128xf32, #tpu.memory_space<vmem_shared>>)
      %add3A_862 = arith.constant 3 : i32
      %add3A_863 = arith.addi %add3A_854, %add3A_862 : i32
      %min3A_864 = arith.constant 77 : i32
      %min3A_865 = arith.minsi %add3A_863, %min3A_864 : i32
      %add3A_866 = arith.addi %min3A_865, %mul3A_4 : i32
      %mul3A_867 = arith.constant 128 : i32
      %mul3A_868 = arith.muli %add3A_866, %mul3A_867 : i32
      %dma_start3A_869 = arith.constant 0 : i32
      %dma_start3A_870 = tpu.memref_slice %arg3[%dma_start3A_869, %mul3A_868] : memref<2x320000xi32, #tpu.memory_space<hbm>> -> memref<2x128xi32, #tpu.memory_space<hbm>>
      %dma_start3A_871 = arith.constant 0 : i32
      %dma_start3A_872 = tpu.memref_slice %arg3[%dma_start3A_871, %mul3A_868] : memref<2x320000xi32, #tpu.memory_space<hbm>> -> memref<2x128xi32, #tpu.memory_space<hbm>>
      tpu.enqueue_dma source(%dma_start3A_872 : memref<2x128xi32, #tpu.memory_space<hbm>>) target(%arg7 : memref<2x128xi32, #tpu.memory_space<vmem>>) target_semaphore(%arg15 : memref<!tpu.dma_semaphore, #tpu.memory_space<semaphore_mem>>)
      %dma_wait3A_873 = arith.constant 0 : i32
      %dma_wait3A_874 = arith.constant 0 : i32
      %dma_wait3A_875 = tpu.memref_slice %arg3[%dma_wait3A_873, %dma_wait3A_874] : memref<2x320000xi32, #tpu.memory_space<hbm>> -> memref<2x128xi32, #tpu.memory_space<hbm>>
      %dma_wait3A_876 = arith.constant 0 : i32
      %dma_wait3A_877 = arith.constant 0 : i32
      %dma_wait3A_878 = tpu.memref_slice %arg3[%dma_wait3A_876, %dma_wait3A_877] : memref<2x320000xi32, #tpu.memory_space<hbm>> -> memref<2x128xi32, #tpu.memory_space<hbm>>
      tpu.wait_dma2 semaphore(%arg14 : memref<!tpu.dma_semaphore, #tpu.memory_space<semaphore_mem>>) src(%dma_wait3A_878 : memref<2x128xi32, #tpu.memory_space<hbm>>) dst(%arg6 : memref<2x128xi32, #tpu.memory_space<vmem>>)
      %dma_start3A_879 = arith.constant 0 : i32
      %dma_start3A_880 = arith.constant 0 : i32
      %dma_start3A_881 = tpu.memref_slice %arg6[%dma_start3A_879, %dma_start3A_880] : memref<2x128xi32, #tpu.memory_space<vmem>> -> memref<1x128xi32, #tpu.memory_space<vmem>>
      %dma_start3A_882 = tpu.memref_squeeze %dma_start3A_881 : memref<1x128xi32, #tpu.memory_space<vmem>> -> memref<128xi32, #tpu.memory_space<vmem>>
      %dma_start3A_883 = arith.constant 0 : i32
      %dma_start3A_884 = arith.constant 0 : i32
      %dma_start3A_885 = tpu.memref_slice %arg2[%dma_start3A_883, %dma_start3A_884] : memref<10000x128xf32, #tpu.memory_space<hbm>> -> memref<10000x128xf32, #tpu.memory_space<hbm>>
      tpu.enqueue_indirect_dma source(%dma_start3A_885 : memref<10000x128xf32, #tpu.memory_space<hbm>>) target(%arg11 : memref<128x128xf32, #tpu.memory_space<vmem>>) offsets(%dma_start3A_882 : memref<128xi32, #tpu.memory_space<vmem>>) semaphore(%arg19 : memref<!tpu.dma_semaphore, #tpu.memory_space<semaphore_mem>>)
      %dma_wait3A_886 = arith.constant 0 : i32
      %dma_wait3A_887 = arith.constant 0 : i32
      %dma_wait3A_888 = tpu.memref_slice %arg8[%dma_wait3A_886, %dma_wait3A_887] : memref<2x128xi32, #tpu.memory_space<vmem>> -> memref<1x128xi32, #tpu.memory_space<vmem>>
      %dma_wait3A_889 = tpu.memref_squeeze %dma_wait3A_888 : memref<1x128xi32, #tpu.memory_space<vmem>> -> memref<128xi32, #tpu.memory_space<vmem>>
      %dma_wait3A_890 = arith.constant 0 : i32
      %dma_wait3A_891 = arith.constant 0 : i32
      %dma_wait3A_892 = tpu.memref_slice %arg2[%dma_wait3A_890, %dma_wait3A_891] : memref<10000x128xf32, #tpu.memory_space<hbm>> -> memref<10000x128xf32, #tpu.memory_space<hbm>>
      tpu.wait_indirect_dma semaphore(%arg17 : memref<!tpu.dma_semaphore, #tpu.memory_space<semaphore_mem>>) src(%dma_wait3A_892 : memref<10000x128xf32, #tpu.memory_space<hbm>>) dst(%arg9 : memref<128x128xf32, #tpu.memory_space<vmem>>)
      %dma_start3A_893 = arith.constant 1 : i32
      %dma_start3A_894 = arith.constant 0 : i32
      %dma_start3A_895 = tpu.memref_slice %arg8[%dma_start3A_893, %dma_start3A_894] : memref<2x128xi32, #tpu.memory_space<vmem>> -> memref<1x128xi32, #tpu.memory_space<vmem>>
      %dma_start3A_896 = tpu.memref_squeeze %dma_start3A_895 : memref<1x128xi32, #tpu.memory_space<vmem>> -> memref<128xi32, #tpu.memory_space<vmem>>
      %dma_start3A_897 = arith.constant 0 : i32
      %dma_start3A_898 = arith.constant 0 : i32
      %dma_start3A_899 = tpu.memref_slice %arg12[%dma_start3A_897, %dma_start3A_898] : memref<10000x128xf32, #tpu.memory_space<vmem_shared>> -> memref<10000x128xf32, #tpu.memory_space<vmem_shared>>
      tpu.enqueue_indirect_dma source(%arg9 : memref<128x128xf32, #tpu.memory_space<vmem>>) target(%dma_start3A_899 : memref<10000x128xf32, #tpu.memory_space<vmem_shared>>) offsets(%dma_start3A_896 : memref<128xi32, #tpu.memory_space<vmem>>) semaphore(%arg20 : memref<!tpu.dma_semaphore, #tpu.memory_space<semaphore_mem>>) {add = true}
    }
    %scan3A_221 = arith.constant 6 : i32
    %dma_wait3A_222 = arith.constant 1 : i32
    %dma_wait3A_223 = arith.constant 0 : i32
    %dma_wait3A_224 = tpu.memref_slice %arg8[%dma_wait3A_222, %dma_wait3A_223] : memref<2x128xi32, #tpu.memory_space<vmem>> -> memref<1x128xi32, #tpu.memory_space<vmem>>
    %dma_wait3A_225 = tpu.memref_squeeze %dma_wait3A_224 : memref<1x128xi32, #tpu.memory_space<vmem>> -> memref<128xi32, #tpu.memory_space<vmem>>
    %dma_wait3A_226 = arith.constant 0 : i32
    %dma_wait3A_227 = arith.constant 0 : i32
    %dma_wait3A_228 = tpu.memref_slice %arg12[%dma_wait3A_226, %dma_wait3A_227] : memref<10000x128xf32, #tpu.memory_space<vmem_shared>> -> memref<10000x128xf32, #tpu.memory_space<vmem_shared>>
    tpu.wait_indirect_dma semaphore(%arg20 : memref<!tpu.dma_semaphore, #tpu.memory_space<semaphore_mem>>) src(%arg9 : memref<128x128xf32, #tpu.memory_space<vmem>>) dst(%dma_wait3A_228 : memref<10000x128xf32, #tpu.memory_space<vmem_shared>>)
    %dma_wait3A_229 = arith.constant 0 : i32
    %dma_wait3A_230 = arith.constant 0 : i32
    %dma_wait3A_231 = tpu.memref_slice %arg5[%dma_wait3A_229, %dma_wait3A_230] : memref<2x128xi32, #tpu.memory_space<vmem>> -> memref<1x128xi32, #tpu.memory_space<vmem>>
    %dma_wait3A_232 = tpu.memref_squeeze %dma_wait3A_231 : memref<1x128xi32, #tpu.memory_space<vmem>> -> memref<128xi32, #tpu.memory_space<vmem>>
    %dma_wait3A_233 = arith.constant 0 : i32
    %dma_wait3A_234 = arith.constant 0 : i32
    %dma_wait3A_235 = tpu.memref_slice %arg2[%dma_wait3A_233, %dma_wait3A_234] : memref<10000x128xf32, #tpu.memory_space<hbm>> -> memref<10000x128xf32, #tpu.memory_space<hbm>>
    tpu.wait_indirect_dma semaphore(%arg18 : memref<!tpu.dma_semaphore, #tpu.memory_space<semaphore_mem>>) src(%dma_wait3A_235 : memref<10000x128xf32, #tpu.memory_space<hbm>>) dst(%arg10 : memref<128x128xf32, #tpu.memory_space<vmem>>)
    %dma_start3A_236 = arith.constant 1 : i32
    %dma_start3A_237 = arith.constant 0 : i32
    %dma_start3A_238 = tpu.memref_slice %arg5[%dma_start3A_236, %dma_start3A_237] : memref<2x128xi32, #tpu.memory_space<vmem>> -> memref<1x128xi32, #tpu.memory_space<vmem>>
    %dma_start3A_239 = tpu.memref_squeeze %dma_start3A_238 : memref<1x128xi32, #tpu.memory_space<vmem>> -> memref<128xi32, #tpu.memory_space<vmem>>
    %dma_start3A_240 = arith.constant 0 : i32
    %dma_start3A_241 = arith.constant 0 : i32
    %dma_start3A_242 = tpu.memref_slice %arg12[%dma_start3A_240, %dma_start3A_241] : memref<10000x128xf32, #tpu.memory_space<vmem_shared>> -> memref<10000x128xf32, #tpu.memory_space<vmem_shared>>
    tpu.enqueue_indirect_dma source(%arg10 : memref<128x128xf32, #tpu.memory_space<vmem>>) target(%dma_start3A_242 : memref<10000x128xf32, #tpu.memory_space<vmem_shared>>) offsets(%dma_start3A_239 : memref<128xi32, #tpu.memory_space<vmem>>) semaphore(%arg21 : memref<!tpu.dma_semaphore, #tpu.memory_space<semaphore_mem>>) {add = true}
    %dma_wait3A_243 = arith.constant 1 : i32
    %dma_wait3A_244 = arith.constant 0 : i32
    %dma_wait3A_245 = tpu.memref_slice %arg5[%dma_wait3A_243, %dma_wait3A_244] : memref<2x128xi32, #tpu.memory_space<vmem>> -> memref<1x128xi32, #tpu.memory_space<vmem>>
    %dma_wait3A_246 = tpu.memref_squeeze %dma_wait3A_245 : memref<1x128xi32, #tpu.memory_space<vmem>> -> memref<128xi32, #tpu.memory_space<vmem>>
    %dma_wait3A_247 = arith.constant 0 : i32
    %dma_wait3A_248 = arith.constant 0 : i32
    %dma_wait3A_249 = tpu.memref_slice %arg12[%dma_wait3A_247, %dma_wait3A_248] : memref<10000x128xf32, #tpu.memory_space<vmem_shared>> -> memref<10000x128xf32, #tpu.memory_space<vmem_shared>>
    tpu.wait_indirect_dma semaphore(%arg21 : memref<!tpu.dma_semaphore, #tpu.memory_space<semaphore_mem>>) src(%arg10 : memref<128x128xf32, #tpu.memory_space<vmem>>) dst(%dma_wait3A_249 : memref<10000x128xf32, #tpu.memory_space<vmem_shared>>)
    %dma_wait3A_250 = arith.constant 0 : i32
    %dma_wait3A_251 = arith.constant 0 : i32
    %dma_wait3A_252 = tpu.memref_slice %arg6[%dma_wait3A_250, %dma_wait3A_251] : memref<2x128xi32, #tpu.memory_space<vmem>> -> memref<1x128xi32, #tpu.memory_space<vmem>>
    %dma_wait3A_253 = tpu.memref_squeeze %dma_wait3A_252 : memref<1x128xi32, #tpu.memory_space<vmem>> -> memref<128xi32, #tpu.memory_space<vmem>>
    %dma_wait3A_254 = arith.constant 0 : i32
    %dma_wait3A_255 = arith.constant 0 : i32
    %dma_wait3A_256 = tpu.memref_slice %arg2[%dma_wait3A_254, %dma_wait3A_255] : memref<10000x128xf32, #tpu.memory_space<hbm>> -> memref<10000x128xf32, #tpu.memory_space<hbm>>
    tpu.wait_indirect_dma semaphore(%arg19 : memref<!tpu.dma_semaphore, #tpu.memory_space<semaphore_mem>>) src(%dma_wait3A_256 : memref<10000x128xf32, #tpu.memory_space<hbm>>) dst(%arg11 : memref<128x128xf32, #tpu.memory_space<vmem>>)
    %dma_start3A_257 = arith.constant 1 : i32
    %dma_start3A_258 = arith.constant 0 : i32
    %dma_start3A_259 = tpu.memref_slice %arg6[%dma_start3A_257, %dma_start3A_258] : memref<2x128xi32, #tpu.memory_space<vmem>> -> memref<1x128xi32, #tpu.memory_space<vmem>>
    %dma_start3A_260 = tpu.memref_squeeze %dma_start3A_259 : memref<1x128xi32, #tpu.memory_space<vmem>> -> memref<128xi32, #tpu.memory_space<vmem>>
    %dma_start3A_261 = arith.constant 0 : i32
    %dma_start3A_262 = arith.constant 0 : i32
    %dma_start3A_263 = tpu.memref_slice %arg12[%dma_start3A_261, %dma_start3A_262] : memref<10000x128xf32, #tpu.memory_space<vmem_shared>> -> memref<10000x128xf32, #tpu.memory_space<vmem_shared>>
    tpu.enqueue_indirect_dma source(%arg11 : memref<128x128xf32, #tpu.memory_space<vmem>>) target(%dma_start3A_263 : memref<10000x128xf32, #tpu.memory_space<vmem_shared>>) offsets(%dma_start3A_260 : memref<128xi32, #tpu.memory_space<vmem>>) semaphore(%arg22 : memref<!tpu.dma_semaphore, #tpu.memory_space<semaphore_mem>>) {add = true}
    %dma_wait3A_264 = arith.constant 1 : i32
    %dma_wait3A_265 = arith.constant 0 : i32
    %dma_wait3A_266 = tpu.memref_slice %arg6[%dma_wait3A_264, %dma_wait3A_265] : memref<2x128xi32, #tpu.memory_space<vmem>> -> memref<1x128xi32, #tpu.memory_space<vmem>>
    %dma_wait3A_267 = tpu.memref_squeeze %dma_wait3A_266 : memref<1x128xi32, #tpu.memory_space<vmem>> -> memref<128xi32, #tpu.memory_space<vmem>>
    %dma_wait3A_268 = arith.constant 0 : i32
    %dma_wait3A_269 = arith.constant 0 : i32
    %dma_wait3A_270 = tpu.memref_slice %arg12[%dma_wait3A_268, %dma_wait3A_269] : memref<10000x128xf32, #tpu.memory_space<vmem_shared>> -> memref<10000x128xf32, #tpu.memory_space<vmem_shared>>
    tpu.wait_indirect_dma semaphore(%arg22 : memref<!tpu.dma_semaphore, #tpu.memory_space<semaphore_mem>>) src(%arg11 : memref<128x128xf32, #tpu.memory_space<vmem>>) dst(%dma_wait3A_270 : memref<10000x128xf32, #tpu.memory_space<vmem_shared>>)
    %dma_wait3A_271 = arith.constant 0 : i32
    %dma_wait3A_272 = arith.constant 0 : i32
    %dma_wait3A_273 = tpu.memref_slice %arg3[%dma_wait3A_271, %dma_wait3A_272] : memref<2x320000xi32, #tpu.memory_space<hbm>> -> memref<2x128xi32, #tpu.memory_space<hbm>>
    %dma_wait3A_274 = arith.constant 0 : i32
    %dma_wait3A_275 = arith.constant 0 : i32
    %dma_wait3A_276 = tpu.memref_slice %arg3[%dma_wait3A_274, %dma_wait3A_275] : memref<2x320000xi32, #tpu.memory_space<hbm>> -> memref<2x128xi32, #tpu.memory_space<hbm>>
    tpu.wait_dma2 semaphore(%arg15 : memref<!tpu.dma_semaphore, #tpu.memory_space<semaphore_mem>>) src(%dma_wait3A_276 : memref<2x128xi32, #tpu.memory_space<hbm>>) dst(%arg7 : memref<2x128xi32, #tpu.memory_space<vmem>>)
    %lt3A = arith.constant 4 : i32
    %lt3A_277 = arith.cmpi slt, %add3A, %lt3A : i32
    %convert_element_type3A_278 = arith.extui %lt3A_277 : i1 to i32
    %cond3A_279 = arith.constant 0 : i32
    %cond3A_280 = arith.cmpi ne, %convert_element_type3A_278, %cond3A_279 : i32
    scf.if %cond3A_280 {
      %add3A_287 = arith.constant 2496 : i32
      %add3A_288 = arith.addi %add3A_287, %add3A : i32
      %mul3A_289 = arith.constant 128 : i32
      %mul3A_290 = arith.muli %add3A_288, %mul3A_289 : i32
      "tpu.region"() ({
        %run_scoped3A_305 = tpu.sem_alloc : memref<!tpu.dma_semaphore, #tpu.memory_space<semaphore_mem>>
        %dma_start3A_306 = arith.constant 0 : i32
        %dma_start3A_307 = tpu.memref_slice %arg3[%dma_start3A_306, %mul3A_290] : memref<2x320000xi32, #tpu.memory_space<hbm>> -> memref<2x128xi32, #tpu.memory_space<hbm>>
        %dma_start3A_308 = arith.constant 0 : i32
        %dma_start3A_309 = tpu.memref_slice %arg3[%dma_start3A_308, %mul3A_290] : memref<2x320000xi32, #tpu.memory_space<hbm>> -> memref<2x128xi32, #tpu.memory_space<hbm>>
        tpu.enqueue_dma source(%dma_start3A_309 : memref<2x128xi32, #tpu.memory_space<hbm>>) target(%arg5 : memref<2x128xi32, #tpu.memory_space<vmem>>) target_semaphore(%run_scoped3A_305 : memref<!tpu.dma_semaphore, #tpu.memory_space<semaphore_mem>>)
        %dma_wait3A_310 = arith.constant 0 : i32
        %dma_wait3A_311 = tpu.memref_slice %arg3[%dma_wait3A_310, %mul3A_290] : memref<2x320000xi32, #tpu.memory_space<hbm>> -> memref<2x128xi32, #tpu.memory_space<hbm>>
        %dma_wait3A_312 = arith.constant 0 : i32
        %dma_wait3A_313 = tpu.memref_slice %arg3[%dma_wait3A_312, %mul3A_290] : memref<2x320000xi32, #tpu.memory_space<hbm>> -> memref<2x128xi32, #tpu.memory_space<hbm>>
        tpu.wait_dma2 semaphore(%run_scoped3A_305 : memref<!tpu.dma_semaphore, #tpu.memory_space<semaphore_mem>>) src(%dma_wait3A_313 : memref<2x128xi32, #tpu.memory_space<hbm>>) dst(%arg5 : memref<2x128xi32, #tpu.memory_space<vmem>>)
        tpu.yield
      }) : () -> ()
      %dma_start3A_291 = arith.constant 0 : i32
      %dma_start3A_292 = arith.constant 0 : i32
      %dma_start3A_293 = tpu.memref_slice %arg5[%dma_start3A_291, %dma_start3A_292] : memref<2x128xi32, #tpu.memory_space<vmem>> -> memref<1x128xi32, #tpu.memory_space<vmem>>
      %dma_start3A_294 = tpu.memref_squeeze %dma_start3A_293 : memref<1x128xi32, #tpu.memory_space<vmem>> -> memref<128xi32, #tpu.memory_space<vmem>>
      %dma_start3A_295 = arith.constant 0 : i32
      %dma_start3A_296 = arith.constant 0 : i32
      %dma_start3A_297 = tpu.memref_slice %arg2[%dma_start3A_295, %dma_start3A_296] : memref<10000x128xf32, #tpu.memory_space<hbm>> -> memref<10000x128xf32, #tpu.memory_space<hbm>>
      tpu.enqueue_indirect_dma source(%dma_start3A_297 : memref<10000x128xf32, #tpu.memory_space<hbm>>) target(%arg9 : memref<128x128xf32, #tpu.memory_space<vmem>>) offsets(%dma_start3A_294 : memref<128xi32, #tpu.memory_space<vmem>>) semaphore(%arg23 : memref<!tpu.dma_semaphore, #tpu.memory_space<semaphore_mem>>)
      %dma_wait3A_298 = arith.constant 0 : i32
      %dma_wait3A_299 = arith.constant 0 : i32
      %dma_wait3A_300 = tpu.memref_slice %arg5[%dma_wait3A_298, %dma_wait3A_299] : memref<2x128xi32, #tpu.memory_space<vmem>> -> memref<1x128xi32, #tpu.memory_space<vmem>>
      %dma_wait3A_301 = tpu.memref_squeeze %dma_wait3A_300 : memref<1x128xi32, #tpu.memory_space<vmem>> -> memref<128xi32, #tpu.memory_space<vmem>>
      %dma_wait3A_302 = arith.constant 0 : i32
      %dma_wait3A_303 = arith.constant 0 : i32
      %dma_wait3A_304 = tpu.memref_slice %arg2[%dma_wait3A_302, %dma_wait3A_303] : memref<10000x128xf32, #tpu.memory_space<hbm>> -> memref<10000x128xf32, #tpu.memory_space<hbm>>
      tpu.wait_indirect_dma semaphore(%arg23 : memref<!tpu.dma_semaphore, #tpu.memory_space<semaphore_mem>>) src(%dma_wait3A_304 : memref<10000x128xf32, #tpu.memory_space<hbm>>) dst(%arg9 : memref<128x128xf32, #tpu.memory_space<vmem>>)
      %run_scoped3A = arith.constant 1 : i32
      "tpu.region"() ({
        %run_scoped3A_305 = tpu.sem_alloc : memref<!tpu.dma_semaphore, #tpu.memory_space<semaphore_mem>>
        %dma_start3A_306 = arith.constant 0 : i32
        %dma_start3A_307 = tpu.memref_slice %arg5[%run_scoped3A, %dma_start3A_306] : memref<2x128xi32, #tpu.memory_space<vmem>> -> memref<1x128xi32, #tpu.memory_space<vmem>>
        %dma_start3A_308 = tpu.memref_squeeze %dma_start3A_307 : memref<1x128xi32, #tpu.memory_space<vmem>> -> memref<128xi32, #tpu.memory_space<vmem>>
        %dma_start3A_309 = arith.constant 0 : i32
        %dma_start3A_310 = arith.constant 0 : i32
        %dma_start3A_311 = tpu.memref_slice %arg12[%dma_start3A_309, %dma_start3A_310] : memref<10000x128xf32, #tpu.memory_space<vmem_shared>> -> memref<10000x128xf32, #tpu.memory_space<vmem_shared>>
        tpu.enqueue_indirect_dma source(%arg9 : memref<128x128xf32, #tpu.memory_space<vmem>>) target(%dma_start3A_311 : memref<10000x128xf32, #tpu.memory_space<vmem_shared>>) offsets(%dma_start3A_308 : memref<128xi32, #tpu.memory_space<vmem>>) semaphore(%run_scoped3A_305 : memref<!tpu.dma_semaphore, #tpu.memory_space<semaphore_mem>>) {add = true}
        %dma_wait3A_312 = arith.constant 0 : i32
        %dma_wait3A_313 = tpu.memref_slice %arg5[%run_scoped3A, %dma_wait3A_312] : memref<2x128xi32, #tpu.memory_space<vmem>> -> memref<1x128xi32, #tpu.memory_space<vmem>>
        %dma_wait3A_314 = tpu.memref_squeeze %dma_wait3A_313 : memref<1x128xi32, #tpu.memory_space<vmem>> -> memref<128xi32, #tpu.memory_space<vmem>>
        %dma_wait3A_315 = arith.constant 0 : i32
        %dma_wait3A_316 = arith.constant 0 : i32
        %dma_wait3A_317 = tpu.memref_slice %arg12[%dma_wait3A_315, %dma_wait3A_316] : memref<10000x128xf32, #tpu.memory_space<vmem_shared>> -> memref<10000x128xf32, #tpu.memory_space<vmem_shared>>
        tpu.wait_indirect_dma semaphore(%run_scoped3A_305 : memref<!tpu.dma_semaphore, #tpu.memory_space<semaphore_mem>>) src(%arg9 : memref<128x128xf32, #tpu.memory_space<vmem>>) dst(%dma_wait3A_317 : memref<10000x128xf32, #tpu.memory_space<vmem_shared>>)
        tpu.yield
      }) : () -> ()
    } else {
    }
    %barrier3A_281 = arith.constant 0 : index
    tpu.barrier barrier_id(%barrier3A_281)
    "tpu.region"() ({
      %run_scoped3A = tpu.sem_alloc : memref<!tpu.dma_semaphore, #tpu.memory_space<semaphore_mem>>
      %dma_start3A_287 = arith.constant 0 : i32
      %dma_start3A_288 = tpu.memref_slice %arg4[%arg0, %mul3A_2, %dma_start3A_287] : memref<2x10000x128xf32, #tpu.memory_space<hbm>> -> memref<1x624x128xf32, #tpu.memory_space<hbm>>
      %dma_start3A_289 = tpu.memref_squeeze %dma_start3A_288 : memref<1x624x128xf32, #tpu.memory_space<hbm>> -> memref<624x128xf32, #tpu.memory_space<hbm>>
      %dma_start3A_290 = arith.constant 0 : i32
      %dma_start3A_291 = tpu.memref_slice %arg12[%mul3A_2, %dma_start3A_290] : memref<10000x128xf32, #tpu.memory_space<vmem_shared>> -> memref<624x128xf32, #tpu.memory_space<vmem_shared>>
      tpu.enqueue_dma source(%dma_start3A_291 : memref<624x128xf32, #tpu.memory_space<vmem_shared>>) target(%dma_start3A_289 : memref<624x128xf32, #tpu.memory_space<hbm>>) target_semaphore(%run_scoped3A : memref<!tpu.dma_semaphore, #tpu.memory_space<semaphore_mem>>)
      %dma_wait3A_292 = arith.constant 0 : i32
      %dma_wait3A_293 = tpu.memref_slice %arg4[%arg0, %mul3A_2, %dma_wait3A_292] : memref<2x10000x128xf32, #tpu.memory_space<hbm>> -> memref<1x624x128xf32, #tpu.memory_space<hbm>>
      %dma_wait3A_294 = tpu.memref_squeeze %dma_wait3A_293 : memref<1x624x128xf32, #tpu.memory_space<hbm>> -> memref<624x128xf32, #tpu.memory_space<hbm>>
      %dma_wait3A_295 = arith.constant 0 : i32
      %dma_wait3A_296 = tpu.memref_slice %arg12[%mul3A_2, %dma_wait3A_295] : memref<10000x128xf32, #tpu.memory_space<vmem_shared>> -> memref<624x128xf32, #tpu.memory_space<vmem_shared>>
      tpu.wait_dma2 semaphore(%run_scoped3A : memref<!tpu.dma_semaphore, #tpu.memory_space<semaphore_mem>>) src(%dma_wait3A_296 : memref<624x128xf32, #tpu.memory_space<vmem_shared>>) dst(%dma_wait3A_294 : memref<624x128xf32, #tpu.memory_space<hbm>>)
      tpu.yield
    }) : () -> ()
    %eq3A_282 = arith.constant 0 : i32
    %eq3A_283 = arith.cmpi eq, %arg1, %eq3A_282 : i32
    %convert_element_type3A_284 = arith.extui %eq3A_283 : i1 to i32
    %cond3A_285 = arith.constant 0 : i32
    %cond3A_286 = arith.cmpi ne, %convert_element_type3A_284, %cond3A_285 : i32
    scf.if %cond3A_286 {
      "tpu.region"() ({
        %run_scoped3A = tpu.sem_alloc : memref<!tpu.dma_semaphore, #tpu.memory_space<semaphore_mem>>
        %dma_start3A_287 = arith.constant 9984 : i32
        %dma_start3A_288 = arith.constant 0 : i32
        %dma_start3A_289 = tpu.memref_slice %arg4[%arg0, %dma_start3A_287, %dma_start3A_288] : memref<2x10000x128xf32, #tpu.memory_space<hbm>> -> memref<1x16x128xf32, #tpu.memory_space<hbm>>
        %dma_start3A_290 = tpu.memref_squeeze %dma_start3A_289 : memref<1x16x128xf32, #tpu.memory_space<hbm>> -> memref<16x128xf32, #tpu.memory_space<hbm>>
        %dma_start3A_291 = arith.constant 9984 : i32
        %dma_start3A_292 = arith.constant 0 : i32
        %dma_start3A_293 = tpu.memref_slice %arg12[%dma_start3A_291, %dma_start3A_292] : memref<10000x128xf32, #tpu.memory_space<vmem_shared>> -> memref<16x128xf32, #tpu.memory_space<vmem_shared>>
        tpu.enqueue_dma source(%dma_start3A_293 : memref<16x128xf32, #tpu.memory_space<vmem_shared>>) target(%dma_start3A_290 : memref<16x128xf32, #tpu.memory_space<hbm>>) target_semaphore(%run_scoped3A : memref<!tpu.dma_semaphore, #tpu.memory_space<semaphore_mem>>)
        %dma_wait3A_294 = arith.constant 9984 : i32
        %dma_wait3A_295 = arith.constant 0 : i32
        %dma_wait3A_296 = tpu.memref_slice %arg4[%arg0, %dma_wait3A_294, %dma_wait3A_295] : memref<2x10000x128xf32, #tpu.memory_space<hbm>> -> memref<1x16x128xf32, #tpu.memory_space<hbm>>
        %dma_wait3A_297 = tpu.memref_squeeze %dma_wait3A_296 : memref<1x16x128xf32, #tpu.memory_space<hbm>> -> memref<16x128xf32, #tpu.memory_space<hbm>>
        %dma_wait3A_298 = arith.constant 9984 : i32
        %dma_wait3A_299 = arith.constant 0 : i32
        %dma_wait3A_300 = tpu.memref_slice %arg12[%dma_wait3A_298, %dma_wait3A_299] : memref<10000x128xf32, #tpu.memory_space<vmem_shared>> -> memref<16x128xf32, #tpu.memory_space<vmem_shared>>
        tpu.wait_dma2 semaphore(%run_scoped3A : memref<!tpu.dma_semaphore, #tpu.memory_space<semaphore_mem>>) src(%dma_wait3A_300 : memref<16x128xf32, #tpu.memory_space<vmem_shared>>) dst(%dma_wait3A_297 : memref<16x128xf32, #tpu.memory_space<hbm>>)
        tpu.yield
      }) : () -> ()
    } else {
    }
    return
  }
}

module attributes {stable_mosaic.version = 14 : i64} {
  func.func @_tc_body(%arg0: i32, %arg1: memref<2x2000x128xf32, #tpu.memory_space<vmem>>, %arg2: memref<1x128xf32, #tpu.memory_space<vmem>>, %arg3: memref<1x128xf32, #tpu.memory_space<vmem>>, %arg4: memref<128x128xf32, #tpu.memory_space<vmem>>, %arg5: memref<1x128xf32, #tpu.memory_space<vmem>>, %arg6: memref<2000x128xf32, #tpu.memory_space<vmem>>) attributes {dimension_semantics = [#tpu.dimension_semantics<arbitrary>], iteration_bounds = array<i64: 5>, scalar_prefetch = 0 : i64, scratch_operands = 0 : i64, tpu.core_type = #tpu.core_type<tc>, window_params = [{transform_indices = @transform_0, window_bounds = array<i64: 2, 2000, 128>}, {pipeline_mode = #tpu.pipeline_mode<synchronous>, transform_indices = @transform_1, window_bounds = array<i64: 1, 128>}, {pipeline_mode = #tpu.pipeline_mode<synchronous>, transform_indices = @transform_2, window_bounds = array<i64: 1, 128>}, {pipeline_mode = #tpu.pipeline_mode<synchronous>, transform_indices = @transform_3, window_bounds = array<i64: 128, 128>}, {pipeline_mode = #tpu.pipeline_mode<synchronous>, transform_indices = @transform_4, window_bounds = array<i64: 1, 128>}, {transform_indices = @transform_5, window_bounds = array<i64: 2000, 128>}]} {
    %get3A = arith.constant 0 : index
    %get3A_0 = arith.constant 0 : index
    %get3A_1 = arith.constant 0 : index
    %get3A_2 = vector.load %arg1[%get3A, %get3A_0, %get3A_1] : memref<2x2000x128xf32, #tpu.memory_space<vmem>>, vector<1x2000x128xf32>
    %get3A_3 = vector.shape_cast %get3A_2 : vector<1x2000x128xf32> to vector<2000x128xf32>
    %get3A_4 = arith.constant 1 : index
    %get3A_5 = arith.constant 0 : index
    %get3A_6 = arith.constant 0 : index
    %get3A_7 = vector.load %arg1[%get3A_4, %get3A_5, %get3A_6] : memref<2x2000x128xf32, #tpu.memory_space<vmem>>, vector<1x2000x128xf32>
    %get3A_8 = vector.shape_cast %get3A_7 : vector<1x2000x128xf32> to vector<2000x128xf32>
    %add3A = arith.addf %get3A_3, %get3A_8 : vector<2000x128xf32>
    %reduce_sum3A = arith.constant dense<0.000000e+00> : vector<2000xf32>
    %reduce_sum3A_9 = vector.multi_reduction <add>, %add3A, %reduce_sum3A [1] : vector<2000x128xf32> to vector<2000xf32>
    %broadcast_in_dim3A = vector.shape_cast %reduce_sum3A_9 : vector<2000xf32> to vector<2000x1xf32>
    %div3A = arith.constant 1.280000e+02 : f32
    %div3A_10 = vector.broadcast %div3A : f32 to vector<2000x1xf32>
    %div3A_11 = arith.divf %broadcast_in_dim3A, %div3A_10 : vector<2000x1xf32>
    %sub3A = vector.broadcast %div3A_11 : vector<2000x1xf32> to vector<2000x128xf32>
    %sub3A_12 = arith.subf %add3A, %sub3A : vector<2000x128xf32>
    %integer_pow3A = arith.mulf %sub3A_12, %sub3A_12 : vector<2000x128xf32>
    %reduce_sum3A_13 = arith.constant dense<0.000000e+00> : vector<2000xf32>
    %reduce_sum3A_14 = vector.multi_reduction <add>, %integer_pow3A, %reduce_sum3A_13 [1] : vector<2000x128xf32> to vector<2000xf32>
    %broadcast_in_dim3A_15 = vector.shape_cast %reduce_sum3A_14 : vector<2000xf32> to vector<2000x1xf32>
    %div3A_16 = arith.constant 1.280000e+02 : f32
    %div3A_17 = vector.broadcast %div3A_16 : f32 to vector<2000x1xf32>
    %div3A_18 = arith.divf %broadcast_in_dim3A_15, %div3A_17 : vector<2000x1xf32>
    %sub3A_19 = vector.broadcast %div3A_11 : vector<2000x1xf32> to vector<2000x128xf32>
    %sub3A_20 = arith.subf %add3A, %sub3A_19 : vector<2000x128xf32>
    %add3A_21 = arith.constant 9.99999974E-6 : f32
    %add3A_22 = vector.broadcast %add3A_21 : f32 to vector<2000x1xf32>
    %add3A_23 = arith.addf %div3A_18, %add3A_22 : vector<2000x1xf32>
    %rsqrt3A = math.rsqrt %add3A_23 : vector<2000x1xf32>
    %mul3A = vector.broadcast %rsqrt3A : vector<2000x1xf32> to vector<2000x128xf32>
    %mul3A_24 = arith.mulf %sub3A_20, %mul3A : vector<2000x128xf32>
    %get3A_25 = arith.constant 0 : index
    %get3A_26 = arith.constant 0 : index
    %get3A_27 = vector.load %arg2[%get3A_25, %get3A_26] : memref<1x128xf32, #tpu.memory_space<vmem>>, vector<1x128xf32>
    %mul3A_28 = vector.broadcast %get3A_27 : vector<1x128xf32> to vector<2000x128xf32>
    %mul3A_29 = arith.mulf %mul3A_24, %mul3A_28 : vector<2000x128xf32>
    %get3A_30 = arith.constant 0 : index
    %get3A_31 = arith.constant 0 : index
    %get3A_32 = vector.load %arg3[%get3A_30, %get3A_31] : memref<1x128xf32, #tpu.memory_space<vmem>>, vector<1x128xf32>
    %add3A_33 = vector.broadcast %get3A_32 : vector<1x128xf32> to vector<2000x128xf32>
    %add3A_34 = arith.addf %mul3A_29, %add3A_33 : vector<2000x128xf32>
    %get3A_35 = arith.constant 0 : index
    %get3A_36 = arith.constant 0 : index
    %get3A_37 = vector.load %arg4[%get3A_35, %get3A_36] : memref<128x128xf32, #tpu.memory_space<vmem>>, vector<128x128xf32>
    %dot_general3A = arith.constant dense<0.000000e+00> : vector<2000x128xf32>
    %dot_general3A_38 = tpu.matmul %add3A_34, %get3A_37, %dot_general3A {dimension_numbers = #tpu.dot_dimension_numbers<[1], [1], [0], [0], [0, 0, 1, 0], [], []>, transpose_lhs_hint = false} : vector<2000x128xf32>, vector<128x128xf32>, vector<2000x128xf32> -> vector<2000x128xf32>
    %get3A_39 = arith.constant 0 : index
    %get3A_40 = arith.constant 0 : index
    %get3A_41 = vector.load %arg5[%get3A_39, %get3A_40] : memref<1x128xf32, #tpu.memory_space<vmem>>, vector<1x128xf32>
    %add3A_42 = vector.broadcast %get3A_41 : vector<1x128xf32> to vector<2000x128xf32>
    %add3A_43 = arith.addf %dot_general3A_38, %add3A_42 : vector<2000x128xf32>
    %swap3A = arith.constant 0 : index
    %swap3A_44 = arith.constant 0 : index
    %swap3A_45 = vector.load %arg6[%swap3A, %swap3A_44] : memref<2000x128xf32, #tpu.memory_space<vmem>>, vector<2000x128xf32>
    tpu.vector_store %arg6[%swap3A, %swap3A_44], %add3A_43 {strides = array<i32>} : memref<2000x128xf32, #tpu.memory_space<vmem>>, vector<2000x128xf32>,
    return
  }
  func.func @transform_0(%arg0: i32) -> (i32, i32, i32) {
    %c0_i32 = arith.constant 0 : i32
    %c0_i32_0 = arith.constant 0 : i32
    %c0_i32_1 = arith.constant 0 : i32
    return %c0_i32, %arg0, %c0_i32_0 : i32, i32, i32
  }
  func.func @transform_1(%arg0: i32) -> (i32, i32) {
    %c0_i32 = arith.constant 0 : i32
    %c0_i32_0 = arith.constant 0 : i32
    %c0_i32_1 = arith.constant 0 : i32
    return %c0_i32, %c0_i32_0 : i32, i32
  }
  func.func @transform_2(%arg0: i32) -> (i32, i32) {
    %c0_i32 = arith.constant 0 : i32
    %c0_i32_0 = arith.constant 0 : i32
    %c0_i32_1 = arith.constant 0 : i32
    return %c0_i32, %c0_i32_0 : i32, i32
  }
  func.func @transform_3(%arg0: i32) -> (i32, i32) {
    %c0_i32 = arith.constant 0 : i32
    %c0_i32_0 = arith.constant 0 : i32
    %c0_i32_1 = arith.constant 0 : i32
    return %c0_i32, %c0_i32_0 : i32, i32
  }
  func.func @transform_4(%arg0: i32) -> (i32, i32) {
    %c0_i32 = arith.constant 0 : i32
    %c0_i32_0 = arith.constant 0 : i32
    %c0_i32_1 = arith.constant 0 : i32
    return %c0_i32, %c0_i32_0 : i32, i32
  }
  func.func @transform_5(%arg0: i32) -> (i32, i32) {
    %c0_i32 = arith.constant 0 : i32
    %c0_i32_0 = arith.constant 0 : i32
    return %arg0, %c0_i32 : i32, i32
  }
}

</mosaic_0001>

<sc_bundles>
// kernel: kernel.4.cloned.1.call-start
scs
__scs_entry_jumppad:
0x0: {  	(pc) =	sbr.rel $0x88, $3  }
0x1: {  	(tag) =	ssettag $0x0;
	lr =	simm.s32 $0x1  }
0x2: {  	[smem:$0x3F9B] =	sst lr;
	_ =	strace $0xD0000000  }
0x3: {  	_ = 	snop  }
0x4: {  	_ = 	snop  }
0x5: {  	_ = 	snop  }
0x6: {  	_ = 	snop  }
0x7: {  	_ = 	snop  }
__scs_overlays_trampoline_lowered:
0x8: {  	[smem:$0x3FAA] =	sst s0  }
0x9: {  	[smem:$0x3FAB] =	sst s1  }
0xa: {  	[smem:$0x3FAC] =	sst s2  }
0xb: {  	[smem:$0x3FAD] =	sst s3  }
0xc: {  	[smem:$0x3FAE] =	sst s4  }
0xd: {  	[smem:$0x3FAF] =	sst s5  }
0xe: {  	[smem:$0x3FB0] =	sst s6  }
0xf: {  	[smem:$0x3FB1] =	sst s7  }
0x10: {  	[smem:$0x3FB2] =	sst s8  }
0x11: {  	[smem:$0x3FB3] =	sst s9;
	s0 =	simm.s32 @!p0 $0x0  }
0x12: {  	s1 =	sld [smem:$0x3F99];
	s0 =	simm.s32 @p0 $0x1  }
0x13: {  	[smem:$0x3FB4] =	sst s0;
	s0 =	simm.s32 @!p1 $0x0  }
0x14: {  	s2 =	sld [smem:$0x3F98];
	s0 =	simm.s32 @p1 $0x1  }
0x15: {  	[smem:$0x3FB5] =	sst s0;
	s0 =	simm.s32 @!p2 $0x0  }
0x16: {  	s3 =	sld [smem:$0x3FDB];
	s0 =	simm.s32 @p2 $0x1  }
0x17: {  	s4 =	simm.s32 $0x1BF5;
	[smem:$0x3FB7] =	sst s0  }
0x18: {  	s0 =	sld [smem:$0x3F9A];
	_ =	swait.ge [sflag:s4], $0x0  }
0x19: {  	s7 =	sld [smem:$0x3F9B]  }
0x1a: {  	s8 =	sadd.s32 $0xFFFFE003, lr  }
0x1b: {  	s9 =	sadd.s32 $0xFFFFFEF7, lr;
	s5 =	simm.s32 $0xFFFFFFFF;
	p2 =	slt.u32 s8, $0xFFFFF086  }
0x1c: {  	p1 =	slt.u32 s9, $0xF7A;
	s5 =	simm.s32 @!p2 $0x0  }
0x1d: {  	s5 =	simm.s32 @p1 $0x1;
	p0 =	seq.s32 s7, s2  }
0x1e: {  	s7 =	smul.u32 @!p0 $0xF7A, s2;
	p2 =	seq.s32 @!p0 s5, $0x0  }
0x1f: {  	s9 =	smul.u32 $0xF7A, s1;
	s8 =	simm.s32 @!p0 $0x1BF5;
	p2 =	por !p2, p0  }
0x20: {  	[sflag:s8] =	ssyncset.s32 @!p0 $0xFFFFF086;
	s6 =	sadd.s32 @!p0 s3, s7;
	s7 =	simm.s32 @!p0 $0x108  }
0x21: {  	s3 =	sadd.s32 s3, s9;
	s6 =	sadd.s32 @!p0 $0x88, s6;
	s7 =	simm.s32 @p2 $0x1082  }
0x22: {  	[simem:s7], [sflag:s8] =	dma.local @!p0 [hbm:s6], $0xF7A  }
0x23: {  	s9 =	sor.u32 $0xD0000000, s2;
	s6 =	simm.s32 $0x108;
	_ =	swait.ge @!p0 [sflag:s8], $0x0  }
0x24: {  	s3 =	sadd.s32 $0x88, s3;
	s6 =	simm.s32 @!p1 $0x1082;
	[sflag:s4] =	ssyncset.s32 $0xFFFFF086  }
0x25: {  	[simem:s6], [sflag:s4] =	dma.local [hbm:s3], $0xF7A  }
0x26: {  	[smem:$0x3F9B] =	sst s1;
	(tag) =	ssettag s2;
	_ =	strace s9  }
0x27: {  	s1 =	sld [smem:$0x3FAB]  }
0x28: {  	s2 =	sld [smem:$0x3FAC]  }
0x29: {  	s4 =	sld [smem:$0x3FAE]  }
0x2a: {  	p0 =	seq.s32 s5, $0x0;
	s5 =	sld [smem:$0x3FAF]  }
0x2b: {  	s6 =	sld [smem:$0x3FB0]  }
0x2c: {  	s7 =	sld [smem:$0x3FB1]  }
0x2d: {  	s3 =	simm.s32 $0x108;
	s8 =	sld [smem:$0x3FB2]  }
0x2e: {  	s3 =	simm.s32 @!p0 $0x1082;
	s9 =	sld [smem:$0x3FB3]  }
0x2f: {  	lr =	sadd.s32 s0, s3;
	s0 =	sld [smem:$0x3FAA]  }
0x30: {  	s3 =	sld [smem:$0x3FAD]  }
0x31: {  	[smem:$0x3FB6] =	sst s10  }
0x32: {  	s10 =	sld [smem:$0x3FB4];
	_ =	sdelay $0x3  }
0x33: {  	p0 =	seq.s32 s10, $0x1;
	s10 =	sld [smem:$0x3FB6];
	_ =	sdelay $0x3  }
0x34: {  	[smem:$0x3FB6] =	sst s10  }
0x35: {  	s10 =	sld [smem:$0x3FB5];
	_ =	sdelay $0x3  }
0x36: {  	p1 =	seq.s32 s10, $0x1;
	s10 =	sld [smem:$0x3FB6];
	_ =	sdelay $0x3  }
0x37: {  	[smem:$0x3FB6] =	sst s10  }
0x38: {  	s10 =	sld [smem:$0x3FB7]  }
0x39: {  	_ = 	snop;
	(pc) =	sbr.ind lr, $3  }
0x3a: {  	_ = 	snop  }
0x3b: {  	_ = 	snop  }
0x3c: {  	p2 =	seq.s32 s10, $0x1;
	s10 =	sld [smem:$0x3FB6]  }
0x3d: {  	_ =	shalt  }
0x3e: {  	_ =	shalt  }
0x3f: {  	_ =	shalt  }
0x40: {  	_ =	shalt  }
0x41: {  	_ =	shalt  }
0x42: {  	_ =	shalt  }
0x43: {  	_ =	shalt  }
0x44: {  	_ =	shalt  }
0x45: {  	_ =	shalt  }
0x46: {  	_ =	shalt  }
0x47: {  	_ =	shalt  }
0x48: {  	_ =	shalt  }
0x49: {  	_ =	shalt  }
0x4a: {  	_ =	shalt  }
0x4b: {  	_ =	shalt  }
0x4c: {  	_ =	shalt  }
0x4d: {  	_ =	shalt  }
0x4e: {  	_ =	shalt  }
0x4f: {  	_ =	shalt  }
0x50: {  	_ =	shalt  }
0x51: {  	_ =	shalt  }
0x52: {  	_ =	shalt  }
0x53: {  	_ =	shalt  }
0x54: {  	_ =	shalt  }
0x55: {  	_ =	shalt  }
0x56: {  	_ =	shalt  }
0x57: {  	_ =	shalt  }
0x58: {  	_ =	shalt  }
0x59: {  	_ =	shalt  }
0x5a: {  	_ =	shalt  }
0x5b: {  	_ =	shalt  }
0x5c: {  	_ =	shalt  }
0x5d: {  	_ =	shalt  }
0x5e: {  	_ =	shalt  }
0x5f: {  	_ =	shalt  }
0x60: {  	_ =	shalt  }
0x61: {  	_ =	shalt  }
0x62: {  	_ =	shalt  }
0x63: {  	_ =	shalt  }
0x64: {  	_ =	shalt  }
0x65: {  	_ =	shalt  }
0x66: {  	_ =	shalt  }
0x67: {  	_ =	shalt  }
0x68: {  	_ =	shalt  }
0x69: {  	_ =	shalt  }
0x6a: {  	_ =	shalt  }
0x6b: {  	_ =	shalt  }
0x6c: {  	_ =	shalt  }
0x6d: {  	_ =	shalt  }
0x6e: {  	_ =	shalt  }
0x6f: {  	_ =	shalt  }
0x70: {  	_ =	shalt  }
0x71: {  	_ =	shalt  }
0x72: {  	_ =	shalt  }
0x73: {  	_ =	shalt  }
0x74: {  	_ =	shalt  }
0x75: {  	_ =	shalt  }
0x76: {  	_ =	shalt  }
0x77: {  	_ =	shalt  }
0x78: {  	_ =	shalt  }
0x79: {  	_ =	shalt  }
0x7a: {  	_ =	shalt  }
0x7b: {  	_ =	shalt  }
0x7c: {  	_ =	shalt  }
0x7d: {  	_ =	shalt  }
0x7e: {  	_ =	shalt  }
0x7f: {  	_ =	shalt  }
0x80: {  	_ =	shalt  }
0x81: {  	_ =	shalt  }
0x82: {  	_ =	shalt  }
0x83: {  	_ =	shalt  }
0x84: {  	_ =	shalt  }
0x85: {  	_ =	shalt  }
0x86: {  	_ =	shalt  }
0x87: {  	_ =	shalt  }
.Lfunc_end0:
.L_simem_size_0:
called_computation_lowered:
.L_overlay_start_0:
0x88: {  	s2 =	sld [smem:$0x3FD9]  }
0x89: {  	s3 =	sld [smem:$0x3FFE];
	_ =	sdelay $0x1  }
0x8a: {  	s1 =	srdreg.scid  }
0x8b: {  	s0 =	sand.u32 $0x1, s1  }
0x8c: {  	s17 =	sshll.u32 s0, $0xA;
	s2 =	sadd.s32 s3, s2  }
0x8d: {  	s2 =	sadd.s32 s2, s17  }
0x8e: {  	[smem:$0x3FC2] =	sst s2  }
0x8f: {  	_ = 	snop  }
0x90: {  	s2 =	sld [smem:$0x3FC9]  }
0x91: {  	s18 =	sld [smem:$0x3FC8];
	(tm) =	ssettm $0x1  }
0x92: {  	s4 =	sld [smem:$0x3FFB];
	_ =	sdelay $0x3  }
0x93: {  	_ =	strace s4  }
0x94: {  	s4 =	sld [smem:$0x3FFC];
	_ =	sdelay $0x3  }
0x95: {  	_ =	strace s4  }
0x96: {  	s4 =	sld [smem:$0x3FFD];
	_ =	sdelay $0x3  }
0x97: {  	_ =	strace s4  }
0x98: {  	_ =	strace $0x8FFFFFFF  }
0x99: {  	s19 =	sld [smem:$0x3FDB];
	_ =	sdelay $0x1  }
0x9a: {  	s5 =	simm.s32 $_scs_section_size  }
0x9b: {  	s6 =	simm.s32 $_size__tile_overlayer_lowered;
	s7 =	simm.s32 $_tile_overlayer_lowered  }
0x9c: {  	s22 =	simm.s32 $0x1BFF;
	s21 =	sshll.u32 s7, $0x1;
	s4 =	sadd.s32 s5, s19  }
0x9d: {  	s8 =	simm.s32 $0x0;
	s20 =	sshll.u32 s6, $0x1;
	s6 =	sadd.s32 s21, s4  }
0x9e: {  	[timem:s8], [sflag:s22] =	dma.local [hbm:s6], s20  }
0x9f: {  	_ =	swait.ge [sflag:s22], s20  }
0xa0: {  	s5 =	ssub.s32 $0x0, s20;
	[sflag:s22] =	ssyncset.done $0x0  }
0xa1: {  	[sflag:s22] =	ssyncadd.s32 s5;
	_ =	sdelay $0x1  }
0xa2: {  	s23 =	simm.s32 $0x1B8B  }
0xa3: {  	_ =	swait.ge [sflag:s23], $0x1  }
0xa4: {  	[sflag:s23] =	ssyncset.done $0x0  }
0xa5: {  	s25 =	simm.s32 $0x1B8E;
	s24 =	sld [smem:$0x3FFE];
	[sflag:s23] =	ssyncadd.s32 $0xFFFFFFFF  }
0xa6: {  	s26 =	simm.s32 $execute0_lowered;
	[smem:$0x3FD2] =	sst s25  }
0xa7: {  	s6 =	sshll.u32 s26, $0x1;
	_ =	strace $0x80000046;
	[dreg:$0x1] =	wrdreg $0xFFFFFFFF  }
0xa8: {  	s28 =	simm.s32 $_size_execute0_lowered;
	s4 =	sadd.s32 s4, s6;
	[dreg:$0x0] =	wrdreg $0x0  }
0xa9: {  	s6 =	sshll.u32 s28, $0x1;
	[dreg:$0x2] =	wrdreg s4  }
0xaa: {  	[dreg:$0x3] =	wrdreg s6  }
0xab: {  	[dreg:$0x4] =	wrdreg $0xC0  }
0xac: {  	_ =	task [dreg:s8], $0x5FFFF  }
0xad: {  	[dreg:$0x1] =	wrdreg $0xFFFFFFFF  }
0xae: {  	[dreg:$0x0] =	wrdreg $0x60  }
0xaf: {  	[dreg:$0x2] =	wrdreg s2  }
0xb0: {  	[dreg:$0x3] =	wrdreg s18  }
0xb1: {  	[dreg:$0x4] =	wrdreg s24  }
0xb2: {  	[dreg:$0x5] =	wrdreg $0xC4000  }
0xb3: {  	[dreg:$0x6] =	wrdreg $0x9  }
0xb4: {  	_ =	task.clear_ibuf [dreg:s8], $0x7FFFF;
	_ =	strace $0x90000046  }
0xb5: {  	s29 =	simm.s32 $0x9;
	_ =	strace $0x80000048  }
0xb6: {  	_ =	swait.ge [sflag:s29], $0x1  }
0xb7: {  	[sflag:s29] =	ssyncadd.s32 $0xFFFFFFFF  }
0xb8: {  	_ =	strace $0x90000048  }
0xb9: {  	_ =	sfence  }
0xba: {  	s30 =	sld [smem:$0x0];
	_ =	sdelay $0x2  }
0xbb: {  	s31 =	sshll.u32 s1, $0xD;
	s1 =	sshrl.u32 s1, $0x2  }
0xbc: {  	s3 =	sand.u32 $0x4000, s31;
	s1 =	sadd.s32 s1, s30  }
0xbd: {  	s0 =	sor.u32 s3, s0;
	s1 =	sshll.u32 s1, $0x11  }
0xbe: {  	s0 =	sor.u32 s1, s0  }
0xbf: {  	s0 =	sadd.s32 $0x8F2B, s0  }
0xc0: {  	[sflag:s0] =	ssyncadd.remote.s32 $0x1  }
0xc1: {  	_ =	sfence.sel $0xFFFF  }
0xc2: {  	[dreg:$0x0] =	wrdreg $0xFFFFFFFF;
	(pc) =	sbr.abs _section_cstart, $3  }
0xc3: {  	[dreg:$0x1] =	wrdreg $0xFFFFFFFF  }
0xc4: {  	_ =	task.clear_ibuf [dreg:s8], $0x2FFFF;
	_ =	strace $0x9FFFFFFF  }
0xc5: {  	(tm) =	ssettm $0x7FFFFFFF  }
tec
execute0_lowered:
.L_overlay_start_1:
0x0: {  	(tag) =	ssettag $0x1  }
0x1: {  	s1 =	rddreg [dreg:$0x0]  }
0x2: {  	s2 =	rddreg [dreg:$0x1]  }
0x3: {  	s0 =	rddreg [dreg:$0x2]  }
0x4: {  	s3 =	rddreg [dreg:$0x3];
	s4 =	simm.s32 $0x0  }
0x5: {  	s5 =	srdreg.scid;
	s16 =	stileid.u32;
	s28 =	simm.s32 $0x4400  }
0x6: {  	s29 =	simm.s32 $0x200;
	s30 =	simm.s32 $0x300;
	s31 =	simm.s32 $0x3  }
0x7: {  	[smem:$0x7FF] =	sst s4;
	s5 =	sand.u32 $0x1, s5;
	s20 =	smul.u32 $0x4E000, s16  }
0x8: {  	s6 =	sshll.u32 s16, $0x1;
	s0 =	sadd.s32 $0xE00, s0;
	s11 =	smul.u32 $0x9C, s16  }
0x9: {  	s13 =	sadd.s32 $0x20, s2;
	p0 =	sne.s32 s16, $0x0;
	p1 =	sgt.u32 s16, $0x1  }
0xa: {  	_ =	strace $0x80000047;
	s7 =	sor.u32 s5, s6;
	s21 =	smul.u32 $0x4E, s5  }
0xb: {  	s8 =	ssub.s32 $0x2, s5;
	s5 =	smul.u32 $0x138800, s5;
	s6 =	sshrl.u32 s20, $0x2  }
0xc: {  	s9 =	smul.u32 $0x4E, s7;
	s10 =	sshrl.u32 s8, $0x1;
	s6 =	sadd.s32 s6, s3  }
0xd: {  	s25 =	smul.u32 $0x9C0, s7;
	s12 =	sadd.s32 $0x4000, s6;
	[dreg:$0x15] =	wrdreg s6  }
0xe: {  	s15 =	smul.u32 $0x4E00, s7;
	s22 =	sadd.s32 $0x8000, s6;
	[dreg:$0x11] =	wrdreg s12  }
0xf: {  	s7 =	sshll.u32 s7, $0x5;
	s23 =	sadd.s32 $0xC000, s6;
	[dreg:$0x12] =	wrdreg s22  }
0x10: {  	s8 =	ssub.s32 s8, s10;
	s24 =	sadd.s32 $0x10000, s6;
	[dreg:$0x13] =	wrdreg s23  }
0x11: {  	s10 =	sadd.s32 s21, s11;
	s26 =	sadd.s32 s2, s25;
	[dreg:$0x14] =	wrdreg s24  }
0x12: {  	s10 =	sshll.u32 s10, $0x5;
	s9 =	sadd.s32 $0x12, s9;
	[dreg:$0x16] =	wrdreg s26  }
0x13: {  	s14 =	sadd.s32 s13, s10;
	[dreg:$0x5] =	wrdreg s9;
	s12 =	sadd.s32 s25, s13  }
0x14: {  	s10 =	sadd.s32 s2, s10;
	s6 =	sadd.s32 $0x200, s14;
	[dreg:$0x17] =	wrdreg s12  }
0x15: {  	s7 =	sadd.s32 s7, s2;
	s11 =	sadd.s32 $0x200, s10;
	[dreg:$0x6] =	wrdreg s6  }
0x16: {  	s17 =	sshrl.u32 s15, $0x3;
	s13 =	sadd.s32 $0x1C0, s14;
	[dreg:$0x7] =	wrdreg s11  }
0x17: {  	s22 =	sadd.s32 $0x138000, s3;
	s18 =	sadd.s32 $0x1C0, s10;
	[dreg:$0x8] =	wrdreg s13  }
0x18: {  	s26 =	smul.u32 $0x13800, s16;
	s19 =	sadd.s32 $0x180, s14;
	[dreg:$0x9] =	wrdreg s18  }
0x19: {  	s9 =	simm.s32 $0x6;
	s21 =	sadd.s32 $0x180, s10;
	[dreg:$0xa] =	wrdreg s19  }
0x1a: {  	s16 =	simm.s32 $0xA;
	s24 =	sadd.s32 $0x140, s14;
	[dreg:$0xb] =	wrdreg s21  }
0x1b: {  	s12 =	sadd.s32 s2, s17;
	s25 =	sadd.s32 $0x140, s10;
	[dreg:$0xc] =	wrdreg s24  }
0x1c: {  	s20 =	sadd.s32 $0x40, s12;
	s23 =	sadd.s32 $0x60, s12;
	[dreg:$0xd] =	wrdreg s25  }
0x1d: {  	s11 =	sadd.s32 $0x100, s14;
	s15 =	sadd.s32 $0x80, s12;
	[dreg:$0x18] =	wrdreg s20  }
0x1e: {  	s17 =	sadd.s32 $0xA0, s12;
	s18 =	sadd.s32 s26, s5;
	[dreg:$0x19] =	wrdreg s23  }
0x1f: {  	s19 =	sadd.s32 $0xC0, s12;
	s5 =	sshrl.u32 s5, $0x3;
	[dreg:$0x1a] =	wrdreg s15  }
0x20: {  	s24 =	sadd.s32 $0x100, s10;
	s25 =	sadd.s32 $0xC0, s14;
	[dreg:$0xe] =	wrdreg s11  }
0x21: {  	s26 =	smax.u32 s8, $0x1;
	s8 =	simm.s32 $0x4;
	[dreg:$0x1b] =	wrdreg s17  }
0x22: {  	s10 =	simm.s32 $0x180;
	s12 =	simm.s32 $0x9;
	[dreg:$0x1c] =	wrdreg s19  }
0x23: {  	s13 =	simm.s32 $0x1;
	s14 =	simm.s32 $0x7;
	[dreg:$0xf] =	wrdreg s24  }
0x24: {  	s20 =	sadd.s32 $0x13800, s7;
	s21 =	sshrl.u32 s18, $0x3;
	[smem:$0x7FD] =	sst s26  }
0x25: {  	[dreg:$0x10] =	wrdreg s25;
	s24 =	simm.s32 $0xC;
	s25 =	simm.s32 $0x100  }
0x26: {  	s26 =	simm.s32 $0x80;
	s7 =	simm.s32 $0x8;
	s15 =	simm.s32 $0x280  }
0x27: {  	s17 =	simm.s32 $0x2;
	s18 =	simm.s32 $0x380;
	s19 =	simm.s32 $0x0  }
0x28: {  	[dreg:$0x1d] =	wrdreg s20;
	s23 =	sadd.s32 s0, s21;
	s0 =	sadd.s32 s0, s5  }
0x29: {  	s5 =	simm.s32 $0x5;
	[dreg:$0x1e] =	wrdreg s23;
	s0 =	sadd.s32 $0x27000, s0  }
0x2a: {  	v0 =	vimm.f32 $0.0e+00;
	s23 =	simm.s32 $0x400;
	[dreg:$0x1f] =	wrdreg s0;
	s0 =	simm.s32 $0x8400  }
.LBB2_1:
0x2b: {  	s20 =	simm.s32 $0x0;
	s21 =	simm.s32 $0x200  }
.LBB2_2:
0x2c: {  	p2 =	sne.s32 s21, $0xFE00;
	[tilespmem:s20+$0x470] =	vst v0  }
0x2d: {  	[tilespmem:s20+$0x400] =	vst v0  }
0x2e: {  	[tilespmem:s20+$0x410] =	vst v0  }
.Ltmp0:
0x2f: {  	[tilespmem:s20+$0x420] =	vst v0;
	(pc) =	sbr.rel @p2 .LBB2_2-.Ltmp0, $4  }
0x30: {  	[tilespmem:s20+$0x430] =	vst v0  }
0x31: {  	[tilespmem:s20+$0x440] =	vst v0  }
0x32: {  	[tilespmem:s20+$0x450] =	vst v0  }
0x33: {  	[tilespmem:s20+$0x460] =	vst v0;
	s20 =	sshra.s32 s21, $0x2;
	s21 =	sadd.s32 $0x200, s21  }
0x34: {  	[tilespmem:s20+$0x470] =	vst v0  }
0x35: {  	[tilespmem:s20+$0x400] =	vst v0  }
0x36: {  	[tilespmem:s20+$0x410] =	vst v0  }
0x37: {  	[tilespmem:s20+$0x420] =	vst v0  }
0x38: {  	[tilespmem:s20+$0x430] =	vst v0  }
0x39: {  	[tilespmem:s20+$0x440] =	vst v0  }
0x3a: {  	[tilespmem:s20+$0x450] =	vst v0  }
0x3b: {  	[tilespmem:s20+$0x460] =	vst v0;
	s6 =	rddreg [dreg:$0x15]  }
0x3c: {  	[spmem:s6] =	stream.linear.scatter [tilespmem:s23], [sflag:$0xC], $0x4000, $0x38;
	[tilespmem:$0x1FC80] =	vst v63  }
0x3d: {  	_ =	swait.ge [sflag:s24], $0x4000  }
0x3e: {  	[sflag:s24] =	ssyncset.done $0x0  }
0x3f: {  	s11 =	rddreg [dreg:$0x11];
	[sflag:s24] =	ssyncadd.s32 $0xFFFFC000  }
0x40: {  	[spmem:s11] =	stream.linear.scatter [tilespmem:s23], [sflag:$0xC], $0x4000, $0x38;
	[tilespmem:$0x1FC80] =	vst v63  }
0x41: {  	_ =	swait.ge [sflag:s24], $0x4000  }
0x42: {  	[sflag:s24] =	ssyncset.done $0x0  }
0x43: {  	s21 =	rddreg [dreg:$0x12];
	[sflag:s24] =	ssyncadd.s32 $0xFFFFC000  }
0x44: {  	[spmem:s21] =	stream.linear.scatter [tilespmem:s23], [sflag:$0xC], $0x4000, $0x38;
	[tilespmem:$0x1FC80] =	vst v63  }
0x45: {  	_ =	swait.ge [sflag:s24], $0x4000  }
0x46: {  	[sflag:s24] =	ssyncset.done $0x0  }
0x47: {  	s6 =	rddreg [dreg:$0x13];
	[sflag:s24] =	ssyncadd.s32 $0xFFFFC000  }
0x48: {  	[spmem:s6] =	stream.linear.scatter [tilespmem:s23], [sflag:$0xC], $0x4000, $0x38;
	[tilespmem:$0x1FC80] =	vst v63  }
0x49: {  	_ =	swait.ge [sflag:s24], $0x4000  }
0x4a: {  	[sflag:s24] =	ssyncset.done $0x0  }
0x4b: {  	s20 =	rddreg [dreg:$0x14];
	[sflag:s24] =	ssyncadd.s32 $0xFFFFC000  }
0x4c: {  	[spmem:s20] =	stream.linear.scatter [tilespmem:s23], [sflag:$0xC], $0x3800, $0x38;
	[tilespmem:$0x1FC80] =	vst v63  }
0x4d: {  	_ =	swait.ge [sflag:s24], $0x3800  }
0x4e: {  	[sflag:s24] =	ssyncset.done $0x0  }
0x4f: {  	s20 =	simm.s32 @!p0 $0x400;
	[sflag:s24] =	ssyncadd.s32 $0xFFFFC800  }
0x50: {  	[spmem:s22] =	stream.linear.scatter @!p0 [tilespmem:s20], [sflag:$0xC], $0x800, $0x38;
	[tilespmem:$0x1FC80] =	vst v63  }
0x51: {  	s20 =	simm.s32 @!p0 $0xC  }
0x52: {  	_ =	swait.ge @!p0 [sflag:s20], $0x800  }
0x53: {  	[sflag:s20] =	ssyncset.done @!p0 $0x0  }
0x54: {  	[sflag:s20] =	ssyncadd.s32 @!p0 $0xFFFFF800  }
0x55: {  	[bflag:$0x0] =	sbarrier.arrive $0xFFFF  }
0x56: {  	s20 =	simm.s32 $0x0;
	s21 =	rddreg [dreg:$0x16]  }
0x57: {  	[tilespmem:s20], [sflag:$0xC] =	stream.linear.gather [hbm4b:s21+s20], $0x100, $0x38;
	[tilespmem:$0x1FC80] =	vst v63  }
0x58: {  	_ =	swait.ge [sflag:s24], $0x100  }
0x59: {  	[sflag:s24] =	ssyncset.done $0x0  }
0x5a: {  	s6 =	smov.u32 s22;
	s22 =	rddreg [dreg:$0x17];
	[sflag:s24] =	ssyncadd.s32 $0xFFFFFF00  }
0x5b: {  	[tilespmem:s25], [sflag:$0xC] =	stream.linear.gather [hbm4b:s22+s20], $0x100, $0x38;
	[tilespmem:$0x1FC80] =	vst v63  }
0x5c: {  	_ =	swait.ge [sflag:s24], $0x100  }
0x5d: {  	[sflag:s24] =	ssyncset.done $0x0  }
0x5e: {  	[sflag:s24] =	ssyncadd.s32 $0xFFFFFF00  }
0x5f: {  	[tilespmem:s23], [sflag:$0x5] =	stream.indirect.gather [hbm4b:s1+s26], $0x80, s20, s26, $0xb8;
	[tilespmem:$0x1FC80] =	vst v63  }
0x60: {  	_ = 	snop  }
0x61: {  	[tilespmem:s28], [sflag:$0x6] =	stream.indirect.gather [hbm4b:s1+s26], $0x80, s25, s26, $0xb8;
	[tilespmem:$0x1FC80] =	vst v63  }
0x62: {  	s21 =	rddreg [dreg:$0x18]  }
0x63: {  	[tilespmem:s29], [sflag:$0x3] =	stream.linear.gather [hbm4b:s21+s20], $0x100, $0x38;
	[tilespmem:$0x1FC80] =	vst v63  }
0x64: {  	s22 =	rddreg [dreg:$0x19]  }
0x65: {  	[tilespmem:s30], [sflag:$0x4] =	stream.linear.gather [hbm4b:s22+s20], $0x100, $0x38;
	[tilespmem:$0x1FC80] =	vst v63  }
0x66: {  	_ =	swait.ge [sflag:s31], $0x100  }
0x67: {  	[sflag:s31] =	ssyncset.done $0x0  }
0x68: {  	[sflag:s31] =	ssyncadd.s32 $0xFFFFFF00  }
0x69: {  	[tilespmem:s0], [sflag:$0x7] =	stream.indirect.gather [hbm4b:s1+s26], $0x80, s29, s26, $0xb8;
	[tilespmem:$0x1FC80] =	vst v63  }
0x6a: {  	_ =	swait.ge [sflag:s5], $0x4000  }
0x6b: {  	[sflag:s5] =	ssyncset.done $0x0  }
0x6c: {  	[sflag:s5] =	ssyncadd.s32 $0xFFFFC000  }
0x6d: {  	[spmem:s3] =	stream.indirect.scatter.add.f32 [tilespmem:s23], [sflag:$0x8], $0x80, s26, s26, $0xb8;
	[tilespmem:$0x1FC80] =	vst v63  }
0x6e: {  	_ =	swait.ge [sflag:s7], $0x4000  }
0x6f: {  	[sflag:s7] =	ssyncset.done $0x0  }
0x70: {  	s21 =	rddreg [dreg:$0x1a];
	[sflag:s7] =	ssyncadd.s32 $0xFFFFC000  }
0x71: {  	[tilespmem:s20], [sflag:$0x1] =	stream.linear.gather [hbm4b:s21+s20], $0x100, $0x38;
	[tilespmem:$0x1FC80] =	vst v63  }
0x72: {  	_ =	swait.ge [sflag:s8], $0x100  }
0x73: {  	[sflag:s8] =	ssyncset.done $0x0  }
0x74: {  	[sflag:s8] =	ssyncadd.s32 $0xFFFFFF00  }
0x75: {  	[tilespmem:s23], [sflag:$0x5] =	stream.indirect.gather [hbm4b:s1+s26], $0x80, s30, s26, $0xb8;
	[tilespmem:$0x1FC80] =	vst v63  }
0x76: {  	_ =	swait.ge [sflag:s9], $0x4000  }
0x77: {  	[sflag:s9] =	ssyncset.done $0x0  }
0x78: {  	[sflag:s9] =	ssyncadd.s32 $0xFFFFC000  }
0x79: {  	[spmem:s3] =	stream.indirect.scatter.add.f32 [tilespmem:s28], [sflag:$0x9], $0x80, s10, s26, $0xb8;
	[tilespmem:$0x1FC80] =	vst v63  }
0x7a: {  	_ =	swait.ge [sflag:s12], $0x4000  }
0x7b: {  	[sflag:s12] =	ssyncset.done $0x0  }
0x7c: {  	s22 =	rddreg [dreg:$0x1b];
	[sflag:s12] =	ssyncadd.s32 $0xFFFFC000  }
0x7d: {  	[tilespmem:s25], [sflag:$0x2] =	stream.linear.gather [hbm4b:s22+s20], $0x100, $0x38;
	[tilespmem:$0x1FC80] =	vst v63  }
0x7e: {  	_ =	swait.ge [sflag:s13], $0x100  }
0x7f: {  	[sflag:s13] =	ssyncset.done $0x0  }
0x80: {  	[sflag:s13] =	ssyncadd.s32 $0xFFFFFF00  }
0x81: {  	[tilespmem:s28], [sflag:$0x6] =	stream.indirect.gather [hbm4b:s1+s26], $0x80, s20, s26, $0xb8;
	[tilespmem:$0x1FC80] =	vst v63  }
0x82: {  	_ =	swait.ge [sflag:s14], $0x4000  }
0x83: {  	[sflag:s14] =	ssyncset.done $0x0  }
0x84: {  	[sflag:s14] =	ssyncadd.s32 $0xFFFFC000  }
0x85: {  	[spmem:s3] =	stream.indirect.scatter.add.f32 [tilespmem:s0], [sflag:$0xA], $0x80, s15, s26, $0xb8;
	[tilespmem:$0x1FC80] =	vst v63  }
0x86: {  	_ =	swait.ge [sflag:s16], $0x4000  }
0x87: {  	[sflag:s16] =	ssyncset.done $0x0  }
0x88: {  	s21 =	rddreg [dreg:$0x1c];
	[sflag:s16] =	ssyncadd.s32 $0xFFFFC000  }
0x89: {  	[tilespmem:s29], [sflag:$0x3] =	stream.linear.gather [hbm4b:s21+s20], $0x100, $0x38;
	[tilespmem:$0x1FC80] =	vst v63  }
0x8a: {  	_ =	swait.ge [sflag:s17], $0x100  }
0x8b: {  	[sflag:s17] =	ssyncset.done $0x0  }
0x8c: {  	[sflag:s17] =	ssyncadd.s32 $0xFFFFFF00  }
0x8d: {  	[tilespmem:s0], [sflag:$0x7] =	stream.indirect.gather [hbm4b:s1+s26], $0x80, s25, s26, $0xb8;
	[tilespmem:$0x1FC80] =	vst v63  }
0x8e: {  	_ =	swait.ge [sflag:s5], $0x4000  }
0x8f: {  	[sflag:s5] =	ssyncset.done $0x0  }
0x90: {  	[sflag:s5] =	ssyncadd.s32 $0xFFFFC000  }
0x91: {  	[spmem:s3] =	stream.indirect.scatter.add.f32 [tilespmem:s23], [sflag:$0x8], $0x80, s18, s26, $0xb8;
	[tilespmem:$0x1FC80] =	vst v63  }
0x92: {  	_ =	swait.ge [sflag:s7], $0x4000  }
0x93: {  	s21 =	rddreg [dreg:$0x10];
	[sflag:s7] =	ssyncset.done $0x0  }
0x94: {  	[sflag:s7] =	ssyncadd.s32 $0xFFFFC000;
	s21 =	sadd.s32 $0x0, s21  }
0x95: {  	[tilespmem:s30], [sflag:$0x4] =	stream.linear.gather [hbm4b:s21+s4], $0x100, $0x38;
	[tilespmem:$0x1FC80] =	vst v63  }
0x96: {  	_ =	swait.ge [sflag:s31], $0x100  }
0x97: {  	[sflag:s31] =	ssyncset.done $0x0  }
0x98: {  	[sflag:s31] =	ssyncadd.s32 $0xFFFFFF00  }
0x99: {  	[tilespmem:s23], [sflag:$0x5] =	stream.indirect.gather [hbm4b:s1+s26], $0x80, s29, s26, $0xb8;
	[tilespmem:$0x1FC80] =	vst v63  }
0x9a: {  	_ =	swait.ge [sflag:s9], $0x4000  }
0x9b: {  	[sflag:s9] =	ssyncset.done $0x0  }
0x9c: {  	[sflag:s9] =	ssyncadd.s32 $0xFFFFC000  }
0x9d: {  	[spmem:s3] =	stream.indirect.scatter.add.f32 [tilespmem:s28], [sflag:$0x9], $0x80, s26, s26, $0xb8;
	[tilespmem:$0x1FC80] =	vst v63  }
0x9e: {  	_ =	swait.ge [sflag:s12], $0x4000  }
0x9f: {  	s22 =	rddreg [dreg:$0xf];
	[sflag:s12] =	ssyncset.done $0x0  }
0xa0: {  	[sflag:s12] =	ssyncadd.s32 $0xFFFFC000;
	s21 =	sadd.s32 $0x0, s22  }
0xa1: {  	[tilespmem:s4], [sflag:$0x1] =	stream.linear.gather [hbm4b:s21+s4], $0x100, $0x38;
	[tilespmem:$0x1FC80] =	vst v63  }
0xa2: {  	_ =	swait.ge [sflag:s8], $0x100  }
0xa3: {  	[sflag:s8] =	ssyncset.done $0x0  }
0xa4: {  	[sflag:s8] =	ssyncadd.s32 $0xFFFFFF00  }
0xa5: {  	[tilespmem:s28], [sflag:$0x6] =	stream.indirect.gather [hbm4b:s1+s26], $0x80, s30, s26, $0xb8;
	[tilespmem:$0x1FC80] =	vst v63  }
0xa6: {  	_ =	swait.ge [sflag:s14], $0x4000  }
0xa7: {  	[sflag:s14] =	ssyncset.done $0x0  }
0xa8: {  	[sflag:s14] =	ssyncadd.s32 $0xFFFFC000  }
0xa9: {  	[spmem:s3] =	stream.indirect.scatter.add.f32 [tilespmem:s0], [sflag:$0xA], $0x80, s10, s26, $0xb8;
	[tilespmem:$0x1FC80] =	vst v63  }
0xaa: {  	_ =	swait.ge [sflag:s16], $0x4000  }
0xab: {  	s11 =	rddreg [dreg:$0xe];
	[sflag:s16] =	ssyncset.done $0x0  }
0xac: {  	[sflag:s16] =	ssyncadd.s32 $0xFFFFC000;
	s21 =	sadd.s32 $0x0, s11  }
0xad: {  	[tilespmem:s25], [sflag:$0x2] =	stream.linear.gather [hbm4b:s21+s4], $0x100, $0x38;
	[tilespmem:$0x1FC80] =	vst v63  }
0xae: {  	_ =	swait.ge [sflag:s13], $0x100  }
0xaf: {  	[sflag:s13] =	ssyncset.done $0x0  }
0xb0: {  	[sflag:s13] =	ssyncadd.s32 $0xFFFFFF00  }
0xb1: {  	[tilespmem:s0], [sflag:$0x7] =	stream.indirect.gather [hbm4b:s1+s26], $0x80, s4, s26, $0xb8;
	[tilespmem:$0x1FC80] =	vst v63  }
0xb2: {  	_ =	swait.ge [sflag:s5], $0x4000  }
0xb3: {  	[sflag:s5] =	ssyncset.done $0x0  }
0xb4: {  	[sflag:s5] =	ssyncadd.s32 $0xFFFFC000  }
0xb5: {  	[spmem:s3] =	stream.indirect.scatter.add.f32 [tilespmem:s23], [sflag:$0x8], $0x80, s15, s26, $0xb8;
	[tilespmem:$0x1FC80] =	vst v63  }
0xb6: {  	_ =	swait.ge [sflag:s7], $0x4000  }
0xb7: {  	s22 =	rddreg [dreg:$0xd];
	[sflag:s7] =	ssyncset.done $0x0  }
0xb8: {  	[sflag:s7] =	ssyncadd.s32 $0xFFFFC000;
	s21 =	sadd.s32 $0x0, s22  }
0xb9: {  	[tilespmem:s29], [sflag:$0x3] =	stream.linear.gather [hbm4b:s21+s4], $0x100, $0x38;
	[tilespmem:$0x1FC80] =	vst v63  }
0xba: {  	_ =	swait.ge [sflag:s17], $0x100  }
0xbb: {  	[sflag:s17] =	ssyncset.done $0x0  }
0xbc: {  	[sflag:s17] =	ssyncadd.s32 $0xFFFFFF00  }
0xbd: {  	[tilespmem:s23], [sflag:$0x5] =	stream.indirect.gather [hbm4b:s1+s26], $0x80, s25, s26, $0xb8;
	[tilespmem:$0x1FC80] =	vst v63  }
0xbe: {  	_ =	swait.ge [sflag:s9], $0x4000  }
0xbf: {  	[sflag:s9] =	ssyncset.done $0x0  }
0xc0: {  	[sflag:s9] =	ssyncadd.s32 $0xFFFFC000  }
0xc1: {  	[spmem:s3] =	stream.indirect.scatter.add.f32 [tilespmem:s28], [sflag:$0x9], $0x80, s18, s26, $0xb8;
	[tilespmem:$0x1FC80] =	vst v63  }
0xc2: {  	_ =	swait.ge [sflag:s12], $0x4000  }
0xc3: {  	s11 =	rddreg [dreg:$0xc];
	[sflag:s12] =	ssyncset.done $0x0  }
0xc4: {  	[sflag:s12] =	ssyncadd.s32 $0xFFFFC000;
	s21 =	sadd.s32 $0x0, s11  }
0xc5: {  	[tilespmem:s30], [sflag:$0x4] =	stream.linear.gather [hbm4b:s21+s4], $0x100, $0x38;
	[tilespmem:$0x1FC80] =	vst v63  }
0xc6: {  	_ =	swait.ge [sflag:s31], $0x100  }
0xc7: {  	[sflag:s31] =	ssyncset.done $0x0  }
0xc8: {  	[sflag:s31] =	ssyncadd.s32 $0xFFFFFF00  }
0xc9: {  	[tilespmem:s28], [sflag:$0x6] =	stream.indirect.gather [hbm4b:s1+s26], $0x80, s29, s26, $0xb8;
	[tilespmem:$0x1FC80] =	vst v63  }
0xca: {  	_ =	swait.ge [sflag:s14], $0x4000  }
0xcb: {  	[sflag:s14] =	ssyncset.done $0x0  }
0xcc: {  	[sflag:s14] =	ssyncadd.s32 $0xFFFFC000  }
0xcd: {  	[spmem:s3] =	stream.indirect.scatter.add.f32 [tilespmem:s0], [sflag:$0xA], $0x80, s26, s26, $0xb8;
	[tilespmem:$0x1FC80] =	vst v63  }
0xce: {  	_ =	swait.ge [sflag:s16], $0x4000  }
0xcf: {  	s22 =	rddreg [dreg:$0xb];
	[sflag:s16] =	ssyncset.done $0x0  }
0xd0: {  	[sflag:s16] =	ssyncadd.s32 $0xFFFFC000;
	s21 =	sadd.s32 $0x0, s22  }
0xd1: {  	[tilespmem:s4], [sflag:$0x1] =	stream.linear.gather [hbm4b:s21+s4], $0x100, $0x38;
	[tilespmem:$0x1FC80] =	vst v63  }
0xd2: {  	_ =	swait.ge [sflag:s8], $0x100  }
0xd3: {  	[sflag:s8] =	ssyncset.done $0x0  }
0xd4: {  	[sflag:s8] =	ssyncadd.s32 $0xFFFFFF00  }
0xd5: {  	[tilespmem:s0], [sflag:$0x7] =	stream.indirect.gather [hbm4b:s1+s26], $0x80, s30, s26, $0xb8;
	[tilespmem:$0x1FC80] =	vst v63  }
0xd6: {  	_ =	swait.ge [sflag:s5], $0x4000  }
0xd7: {  	[sflag:s5] =	ssyncset.done $0x0  }
0xd8: {  	[sflag:s5] =	ssyncadd.s32 $0xFFFFC000  }
0xd9: {  	[spmem:s3] =	stream.indirect.scatter.add.f32 [tilespmem:s23], [sflag:$0x8], $0x80, s10, s26, $0xb8;
	[tilespmem:$0x1FC80] =	vst v63  }
0xda: {  	_ =	swait.ge [sflag:s7], $0x4000  }
0xdb: {  	s11 =	rddreg [dreg:$0xa];
	[sflag:s7] =	ssyncset.done $0x0  }
0xdc: {  	[sflag:s7] =	ssyncadd.s32 $0xFFFFC000;
	s21 =	sadd.s32 $0x0, s11  }
0xdd: {  	[tilespmem:s25], [sflag:$0x2] =	stream.linear.gather [hbm4b:s21+s4], $0x100, $0x38;
	[tilespmem:$0x1FC80] =	vst v63  }
0xde: {  	_ =	swait.ge [sflag:s13], $0x100  }
0xdf: {  	[sflag:s13] =	ssyncset.done $0x0  }
0xe0: {  	[sflag:s13] =	ssyncadd.s32 $0xFFFFFF00  }
0xe1: {  	[tilespmem:s23], [sflag:$0x5] =	stream.indirect.gather [hbm4b:s1+s26], $0x80, s4, s26, $0xb8;
	[tilespmem:$0x1FC80] =	vst v63  }
0xe2: {  	_ =	swait.ge [sflag:s9], $0x4000  }
0xe3: {  	[sflag:s9] =	ssyncset.done $0x0  }
0xe4: {  	[sflag:s9] =	ssyncadd.s32 $0xFFFFC000  }
0xe5: {  	[spmem:s3] =	stream.indirect.scatter.add.f32 [tilespmem:s28], [sflag:$0x9], $0x80, s15, s26, $0xb8;
	[tilespmem:$0x1FC80] =	vst v63  }
0xe6: {  	_ =	swait.ge [sflag:s12], $0x4000  }
0xe7: {  	s22 =	rddreg [dreg:$0x9];
	[sflag:s12] =	ssyncset.done $0x0  }
0xe8: {  	[sflag:s12] =	ssyncadd.s32 $0xFFFFC000;
	s21 =	sadd.s32 $0x0, s22  }
0xe9: {  	[tilespmem:s29], [sflag:$0x3] =	stream.linear.gather [hbm4b:s21+s4], $0x100, $0x38;
	[tilespmem:$0x1FC80] =	vst v63  }
0xea: {  	_ =	swait.ge [sflag:s17], $0x100  }
0xeb: {  	[sflag:s17] =	ssyncset.done $0x0  }
0xec: {  	[sflag:s17] =	ssyncadd.s32 $0xFFFFFF00  }
0xed: {  	[tilespmem:s28], [sflag:$0x6] =	stream.indirect.gather [hbm4b:s1+s26], $0x80, s25, s26, $0xb8;
	[tilespmem:$0x1FC80] =	vst v63  }
0xee: {  	_ =	swait.ge [sflag:s14], $0x4000  }
0xef: {  	[sflag:s14] =	ssyncset.done $0x0  }
0xf0: {  	[sflag:s14] =	ssyncadd.s32 $0xFFFFC000  }
0xf1: {  	[spmem:s3] =	stream.indirect.scatter.add.f32 [tilespmem:s0], [sflag:$0xA], $0x80, s18, s26, $0xb8;
	[tilespmem:$0x1FC80] =	vst v63  }
0xf2: {  	_ =	swait.ge [sflag:s16], $0x4000  }
0xf3: {  	s11 =	rddreg [dreg:$0x8];
	[sflag:s16] =	ssyncset.done $0x0  }
0xf4: {  	[sflag:s16] =	ssyncadd.s32 $0xFFFFC000;
	s21 =	sadd.s32 $0x0, s11  }
0xf5: {  	[tilespmem:s30], [sflag:$0x4] =	stream.linear.gather [hbm4b:s21+s4], $0x100, $0x38;
	[tilespmem:$0x1FC80] =	vst v63  }
0xf6: {  	_ =	swait.ge [sflag:s31], $0x100  }
0xf7: {  	[sflag:s31] =	ssyncset.done $0x0  }
0xf8: {  	[sflag:s31] =	ssyncadd.s32 $0xFFFFFF00  }
0xf9: {  	[tilespmem:s0], [sflag:$0x7] =	stream.indirect.gather [hbm4b:s1+s26], $0x80, s29, s26, $0xb8;
	[tilespmem:$0x1FC80] =	vst v63  }
0xfa: {  	_ =	swait.ge [sflag:s5], $0x4000  }
0xfb: {  	[sflag:s5] =	ssyncset.done $0x0  }
0xfc: {  	[sflag:s5] =	ssyncadd.s32 $0xFFFFC000  }
0xfd: {  	[spmem:s3] =	stream.indirect.scatter.add.f32 [tilespmem:s23], [sflag:$0x8], $0x80, s26, s26, $0xb8;
	[tilespmem:$0x1FC80] =	vst v63  }
0xfe: {  	_ =	swait.ge [sflag:s7], $0x4000  }
0xff: {  	s22 =	rddreg [dreg:$0x7];
	[sflag:s7] =	ssyncset.done $0x0  }
0x100: {  	[sflag:s7] =	ssyncadd.s32 $0xFFFFC000;
	s21 =	sadd.s32 $0x0, s22  }
0x101: {  	[tilespmem:s4], [sflag:$0x1] =	stream.linear.gather [hbm4b:s21+s4], $0x100, $0x38;
	[tilespmem:$0x1FC80] =	vst v63  }
0x102: {  	_ =	swait.ge [sflag:s8], $0x100  }
0x103: {  	[sflag:s8] =	ssyncset.done $0x0  }
0x104: {  	[sflag:s8] =	ssyncadd.s32 $0xFFFFFF00  }
0x105: {  	[tilespmem:s23], [sflag:$0x5] =	stream.indirect.gather [hbm4b:s1+s26], $0x80, s30, s26, $0xb8;
	[tilespmem:$0x1FC80] =	vst v63  }
0x106: {  	_ =	swait.ge [sflag:s9], $0x4000  }
0x107: {  	[sflag:s9] =	ssyncset.done $0x0  }
0x108: {  	[sflag:s9] =	ssyncadd.s32 $0xFFFFC000  }
0x109: {  	[spmem:s3] =	stream.indirect.scatter.add.f32 [tilespmem:s28], [sflag:$0x9], $0x80, s10, s26, $0xb8;
	[tilespmem:$0x1FC80] =	vst v63  }
0x10a: {  	_ =	swait.ge [sflag:s12], $0x4000  }
0x10b: {  	s11 =	rddreg [dreg:$0x6];
	[sflag:s12] =	ssyncset.done $0x0  }
0x10c: {  	[sflag:s12] =	ssyncadd.s32 $0xFFFFC000;
	s21 =	sadd.s32 $0x0, s11  }
0x10d: {  	[tilespmem:s25], [sflag:$0x2] =	stream.linear.gather [hbm4b:s21+s4], $0x100, $0x38;
	[tilespmem:$0x1FC80] =	vst v63  }
0x10e: {  	_ =	swait.ge [sflag:s13], $0x100  }
0x10f: {  	[sflag:s13] =	ssyncset.done $0x0  }
0x110: {  	[sflag:s13] =	ssyncadd.s32 $0xFFFFFF00  }
0x111: {  	[tilespmem:s28], [sflag:$0x6] =	stream.indirect.gather [hbm4b:s1+s26], $0x80, s4, s26, $0xb8;
	[tilespmem:$0x1FC80] =	vst v63  }
0x112: {  	_ =	swait.ge [sflag:s14], $0x4000  }
0x113: {  	[sflag:s14] =	ssyncset.done $0x0  }
0x114: {  	[sflag:s14] =	ssyncadd.s32 $0xFFFFC000  }
0x115: {  	[spmem:s3] =	stream.indirect.scatter.add.f32 [tilespmem:s0], [sflag:$0xA], $0x80, s15, s26, $0xb8;
	[tilespmem:$0x1FC80] =	vst v63  }
0x116: {  	_ =	swait.ge [sflag:s16], $0x4000  }
0x117: {  	s20 =	smin.u32 s20, $0x3B;
	s22 =	rddreg [dreg:$0x5]  }
0x118: {  	s20 =	sadd.s32 s20, s22  }
0x119: {  	[sflag:s16] =	ssyncset.done $0x0;
	s20 =	sshll.u32 s20, $0x5  }
0x11a: {  	[sflag:s16] =	ssyncadd.s32 $0xFFFFC000;
	s20 =	sadd.s32 s2, s20  }
0x11b: {  	[tilespmem:s29], [sflag:$0x3] =	stream.linear.gather [hbm4b:s20+s4], $0x100, $0x38;
	[tilespmem:$0x1FC80] =	vst v63  }
0x11c: {  	_ =	swait.ge [sflag:s17], $0x100  }
0x11d: {  	[sflag:s17] =	ssyncset.done $0x0  }
0x11e: {  	[sflag:s17] =	ssyncadd.s32 $0xFFFFFF00  }
0x11f: {  	[tilespmem:s0], [sflag:$0x7] =	stream.indirect.gather [hbm4b:s1+s26], $0x80, s25, s26, $0xb8;
	[tilespmem:$0x1FC80] =	vst v63  }
0x120: {  	_ =	swait.ge [sflag:s5], $0x4000  }
0x121: {  	[sflag:s5] =	ssyncset.done $0x0  }
0x122: {  	s21 =	simm.s32 $0xC;
	s20 =	simm.s32 $0x180;
	[sflag:s5] =	ssyncadd.s32 $0xFFFFC000  }
.LBB2_4:
0x123: {  	[spmem:s3] =	stream.indirect.scatter.add.f32 [tilespmem:s23], [sflag:$0x8], $0x80, s18, s26, $0xb8;
	[tilespmem:$0x1FC80] =	vst v63  }
0x124: {  	_ =	swait.ge [sflag:s7], $0x4000  }
0x125: {  	s22 =	smov.u32 s20;
	s11 =	rddreg [dreg:$0x10];
	[sflag:s7] =	ssyncset.done $0x0  }
0x126: {  	[sflag:s7] =	ssyncadd.s32 $0xFFFFC000;
	s11 =	sadd.s32 s22, s11  }
0x127: {  	[tilespmem:s30], [sflag:$0x4] =	stream.linear.gather [hbm4b:s11+s4], $0x100, $0x38;
	[tilespmem:$0x1FC80] =	vst v63  }
0x128: {  	_ =	swait.ge [sflag:s31], $0x100  }
0x129: {  	[sflag:s31] =	ssyncset.done $0x0  }
0x12a: {  	[sflag:s31] =	ssyncadd.s32 $0xFFFFFF00  }
0x12b: {  	[tilespmem:s23], [sflag:$0x5] =	stream.indirect.gather [hbm4b:s1+s26], $0x80, s29, s26, $0xb8;
	[tilespmem:$0x1FC80] =	vst v63  }
0x12c: {  	_ =	swait.ge [sflag:s9], $0x4000  }
0x12d: {  	[sflag:s9] =	ssyncset.done $0x0  }
0x12e: {  	[sflag:s9] =	ssyncadd.s32 $0xFFFFC000  }
0x12f: {  	[spmem:s3] =	stream.indirect.scatter.add.f32 [tilespmem:s28], [sflag:$0x9], $0x80, s26, s26, $0xb8;
	[tilespmem:$0x1FC80] =	vst v63  }
0x130: {  	_ =	swait.ge [sflag:s12], $0x4000  }
0x131: {  	s11 =	rddreg [dreg:$0xf];
	[sflag:s12] =	ssyncset.done $0x0  }
0x132: {  	[sflag:s12] =	ssyncadd.s32 $0xFFFFC000;
	s11 =	sadd.s32 s22, s11  }
0x133: {  	[tilespmem:s4], [sflag:$0x1] =	stream.linear.gather [hbm4b:s11+s4], $0x100, $0x38;
	[tilespmem:$0x1FC80] =	vst v63  }
0x134: {  	_ =	swait.ge [sflag:s8], $0x100  }
0x135: {  	[sflag:s8] =	ssyncset.done $0x0  }
0x136: {  	[sflag:s8] =	ssyncadd.s32 $0xFFFFFF00  }
0x137: {  	[tilespmem:s28], [sflag:$0x6] =	stream.indirect.gather [hbm4b:s1+s26], $0x80, s30, s26, $0xb8;
	[tilespmem:$0x1FC80] =	vst v63  }
0x138: {  	_ =	swait.ge [sflag:s14], $0x4000  }
0x139: {  	[sflag:s14] =	ssyncset.done $0x0  }
0x13a: {  	[sflag:s14] =	ssyncadd.s32 $0xFFFFC000  }
0x13b: {  	[spmem:s3] =	stream.indirect.scatter.add.f32 [tilespmem:s0], [sflag:$0xA], $0x80, s10, s26, $0xb8;
	[tilespmem:$0x1FC80] =	vst v63  }
0x13c: {  	_ =	swait.ge [sflag:s16], $0x4000  }
0x13d: {  	s11 =	rddreg [dreg:$0xe];
	[sflag:s16] =	ssyncset.done $0x0  }
0x13e: {  	[sflag:s16] =	ssyncadd.s32 $0xFFFFC000;
	s11 =	sadd.s32 s22, s11  }
0x13f: {  	[tilespmem:s25], [sflag:$0x2] =	stream.linear.gather [hbm4b:s11+s4], $0x100, $0x38;
	[tilespmem:$0x1FC80] =	vst v63  }
0x140: {  	_ =	swait.ge [sflag:s13], $0x100  }
0x141: {  	[sflag:s13] =	ssyncset.done $0x0  }
0x142: {  	[sflag:s13] =	ssyncadd.s32 $0xFFFFFF00  }
0x143: {  	[tilespmem:s0], [sflag:$0x7] =	stream.indirect.gather [hbm4b:s1+s26], $0x80, s4, s26, $0xb8;
	[tilespmem:$0x1FC80] =	vst v63  }
0x144: {  	_ =	swait.ge [sflag:s5], $0x4000  }
0x145: {  	[sflag:s5] =	ssyncset.done $0x0  }
0x146: {  	[sflag:s5] =	ssyncadd.s32 $0xFFFFC000  }
0x147: {  	[spmem:s3] =	stream.indirect.scatter.add.f32 [tilespmem:s23], [sflag:$0x8], $0x80, s15, s26, $0xb8;
	[tilespmem:$0x1FC80] =	vst v63  }
0x148: {  	_ =	swait.ge [sflag:s7], $0x4000  }
0x149: {  	s11 =	rddreg [dreg:$0xd];
	[sflag:s7] =	ssyncset.done $0x0  }
0x14a: {  	[sflag:s7] =	ssyncadd.s32 $0xFFFFC000;
	s11 =	sadd.s32 s22, s11  }
0x14b: {  	[tilespmem:s29], [sflag:$0x3] =	stream.linear.gather [hbm4b:s11+s4], $0x100, $0x38;
	[tilespmem:$0x1FC80] =	vst v63  }
0x14c: {  	_ =	swait.ge [sflag:s17], $0x100  }
0x14d: {  	[sflag:s17] =	ssyncset.done $0x0  }
0x14e: {  	[sflag:s17] =	ssyncadd.s32 $0xFFFFFF00  }
0x14f: {  	[tilespmem:s23], [sflag:$0x5] =	stream.indirect.gather [hbm4b:s1+s26], $0x80, s25, s26, $0xb8;
	[tilespmem:$0x1FC80] =	vst v63  }
0x150: {  	_ =	swait.ge [sflag:s9], $0x4000  }
0x151: {  	[sflag:s9] =	ssyncset.done $0x0  }
0x152: {  	[sflag:s9] =	ssyncadd.s32 $0xFFFFC000  }
0x153: {  	[spmem:s3] =	stream.indirect.scatter.add.f32 [tilespmem:s28], [sflag:$0x9], $0x80, s18, s26, $0xb8;
	[tilespmem:$0x1FC80] =	vst v63  }
0x154: {  	_ =	swait.ge [sflag:s12], $0x4000  }
0x155: {  	s11 =	rddreg [dreg:$0xc];
	[sflag:s12] =	ssyncset.done $0x0  }
0x156: {  	[sflag:s12] =	ssyncadd.s32 $0xFFFFC000;
	s11 =	sadd.s32 s22, s11  }
0x157: {  	[tilespmem:s30], [sflag:$0x4] =	stream.linear.gather [hbm4b:s11+s4], $0x100, $0x38;
	[tilespmem:$0x1FC80] =	vst v63  }
0x158: {  	_ =	swait.ge [sflag:s31], $0x100  }
0x159: {  	[sflag:s31] =	ssyncset.done $0x0  }
0x15a: {  	[sflag:s31] =	ssyncadd.s32 $0xFFFFFF00  }
0x15b: {  	[tilespmem:s28], [sflag:$0x6] =	stream.indirect.gather [hbm4b:s1+s26], $0x80, s29, s26, $0xb8;
	[tilespmem:$0x1FC80] =	vst v63  }
0x15c: {  	_ =	swait.ge [sflag:s14], $0x4000  }
0x15d: {  	[sflag:s14] =	ssyncset.done $0x0  }
0x15e: {  	[sflag:s14] =	ssyncadd.s32 $0xFFFFC000  }
0x15f: {  	[spmem:s3] =	stream.indirect.scatter.add.f32 [tilespmem:s0], [sflag:$0xA], $0x80, s26, s26, $0xb8;
	[tilespmem:$0x1FC80] =	vst v63  }
0x160: {  	_ =	swait.ge [sflag:s16], $0x4000  }
0x161: {  	s11 =	rddreg [dreg:$0xb];
	[sflag:s16] =	ssyncset.done $0x0  }
0x162: {  	[sflag:s16] =	ssyncadd.s32 $0xFFFFC000;
	s11 =	sadd.s32 s22, s11  }
0x163: {  	[tilespmem:s4], [sflag:$0x1] =	stream.linear.gather [hbm4b:s11+s4], $0x100, $0x38;
	[tilespmem:$0x1FC80] =	vst v63  }
0x164: {  	_ =	swait.ge [sflag:s8], $0x100  }
0x165: {  	[sflag:s8] =	ssyncset.done $0x0  }
0x166: {  	[sflag:s8] =	ssyncadd.s32 $0xFFFFFF00  }
0x167: {  	[tilespmem:s0], [sflag:$0x7] =	stream.indirect.gather [hbm4b:s1+s26], $0x80, s30, s26, $0xb8;
	[tilespmem:$0x1FC80] =	vst v63  }
0x168: {  	_ =	swait.ge [sflag:s5], $0x4000  }
0x169: {  	[sflag:s5] =	ssyncset.done $0x0  }
0x16a: {  	[sflag:s5] =	ssyncadd.s32 $0xFFFFC000  }
0x16b: {  	[spmem:s3] =	stream.indirect.scatter.add.f32 [tilespmem:s23], [sflag:$0x8], $0x80, s10, s26, $0xb8;
	[tilespmem:$0x1FC80] =	vst v63  }
0x16c: {  	_ =	swait.ge [sflag:s7], $0x4000  }
0x16d: {  	s11 =	rddreg [dreg:$0xa];
	[sflag:s7] =	ssyncset.done $0x0  }
0x16e: {  	[sflag:s7] =	ssyncadd.s32 $0xFFFFC000;
	s11 =	sadd.s32 s22, s11  }
0x16f: {  	[tilespmem:s25], [sflag:$0x2] =	stream.linear.gather [hbm4b:s11+s4], $0x100, $0x38;
	[tilespmem:$0x1FC80] =	vst v63  }
0x170: {  	_ =	swait.ge [sflag:s13], $0x100  }
0x171: {  	[sflag:s13] =	ssyncset.done $0x0  }
0x172: {  	[sflag:s13] =	ssyncadd.s32 $0xFFFFFF00  }
0x173: {  	[tilespmem:s23], [sflag:$0x5] =	stream.indirect.gather [hbm4b:s1+s26], $0x80, s4, s26, $0xb8;
	[tilespmem:$0x1FC80] =	vst v63  }
0x174: {  	_ =	swait.ge [sflag:s9], $0x4000  }
0x175: {  	[sflag:s9] =	ssyncset.done $0x0  }
0x176: {  	[sflag:s9] =	ssyncadd.s32 $0xFFFFC000  }
0x177: {  	[spmem:s3] =	stream.indirect.scatter.add.f32 [tilespmem:s28], [sflag:$0x9], $0x80, s15, s26, $0xb8;
	[tilespmem:$0x1FC80] =	vst v63  }
0x178: {  	_ =	swait.ge [sflag:s12], $0x4000  }
0x179: {  	s11 =	rddreg [dreg:$0x9];
	[sflag:s12] =	ssyncset.done $0x0  }
0x17a: {  	[sflag:s12] =	ssyncadd.s32 $0xFFFFC000;
	s11 =	sadd.s32 s22, s11  }
0x17b: {  	[tilespmem:s29], [sflag:$0x3] =	stream.linear.gather [hbm4b:s11+s4], $0x100, $0x38;
	[tilespmem:$0x1FC80] =	vst v63  }
0x17c: {  	_ =	swait.ge [sflag:s17], $0x100  }
0x17d: {  	[sflag:s17] =	ssyncset.done $0x0  }
0x17e: {  	[sflag:s17] =	ssyncadd.s32 $0xFFFFFF00  }
0x17f: {  	[tilespmem:s28], [sflag:$0x6] =	stream.indirect.gather [hbm4b:s1+s26], $0x80, s25, s26, $0xb8;
	[tilespmem:$0x1FC80] =	vst v63  }
0x180: {  	_ =	swait.ge [sflag:s14], $0x4000  }
0x181: {  	[sflag:s14] =	ssyncset.done $0x0  }
0x182: {  	[sflag:s14] =	ssyncadd.s32 $0xFFFFC000  }
0x183: {  	[spmem:s3] =	stream.indirect.scatter.add.f32 [tilespmem:s0], [sflag:$0xA], $0x80, s18, s26, $0xb8;
	[tilespmem:$0x1FC80] =	vst v63  }
0x184: {  	_ =	swait.ge [sflag:s16], $0x4000  }
0x185: {  	s11 =	rddreg [dreg:$0x8];
	[sflag:s16] =	ssyncset.done $0x0  }
0x186: {  	[sflag:s16] =	ssyncadd.s32 $0xFFFFC000;
	s11 =	sadd.s32 s22, s11  }
0x187: {  	[tilespmem:s30], [sflag:$0x4] =	stream.linear.gather [hbm4b:s11+s4], $0x100, $0x38;
	[tilespmem:$0x1FC80] =	vst v63  }
0x188: {  	_ =	swait.ge [sflag:s31], $0x100  }
0x189: {  	[sflag:s31] =	ssyncset.done $0x0  }
0x18a: {  	[sflag:s31] =	ssyncadd.s32 $0xFFFFFF00  }
0x18b: {  	[tilespmem:s0], [sflag:$0x7] =	stream.indirect.gather [hbm4b:s1+s26], $0x80, s29, s26, $0xb8;
	[tilespmem:$0x1FC80] =	vst v63  }
0x18c: {  	_ =	swait.ge [sflag:s5], $0x4000  }
0x18d: {  	[sflag:s5] =	ssyncset.done $0x0  }
0x18e: {  	[sflag:s5] =	ssyncadd.s32 $0xFFFFC000  }
0x18f: {  	[spmem:s3] =	stream.indirect.scatter.add.f32 [tilespmem:s23], [sflag:$0x8], $0x80, s26, s26, $0xb8;
	[tilespmem:$0x1FC80] =	vst v63  }
0x190: {  	_ =	swait.ge [sflag:s7], $0x4000  }
0x191: {  	s11 =	rddreg [dreg:$0x7];
	[sflag:s7] =	ssyncset.done $0x0  }
0x192: {  	[sflag:s7] =	ssyncadd.s32 $0xFFFFC000;
	s11 =	sadd.s32 s22, s11  }
0x193: {  	[tilespmem:s4], [sflag:$0x1] =	stream.linear.gather [hbm4b:s11+s4], $0x100, $0x38;
	[tilespmem:$0x1FC80] =	vst v63  }
0x194: {  	_ =	swait.ge [sflag:s8], $0x100  }
0x195: {  	[sflag:s8] =	ssyncset.done $0x0  }
0x196: {  	[sflag:s8] =	ssyncadd.s32 $0xFFFFFF00  }
0x197: {  	[tilespmem:s23], [sflag:$0x5] =	stream.indirect.gather [hbm4b:s1+s26], $0x80, s30, s26, $0xb8;
	[tilespmem:$0x1FC80] =	vst v63  }
0x198: {  	_ =	swait.ge [sflag:s9], $0x4000  }
0x199: {  	[sflag:s9] =	ssyncset.done $0x0  }
0x19a: {  	[sflag:s9] =	ssyncadd.s32 $0xFFFFC000  }
0x19b: {  	[spmem:s3] =	stream.indirect.scatter.add.f32 [tilespmem:s28], [sflag:$0x9], $0x80, s10, s26, $0xb8;
	[tilespmem:$0x1FC80] =	vst v63  }
0x19c: {  	_ =	swait.ge [sflag:s12], $0x4000  }
0x19d: {  	s11 =	rddreg [dreg:$0x6];
	[sflag:s12] =	ssyncset.done $0x0  }
0x19e: {  	[sflag:s12] =	ssyncadd.s32 $0xFFFFC000;
	s11 =	sadd.s32 s22, s11  }
0x19f: {  	[tilespmem:s25], [sflag:$0x2] =	stream.linear.gather [hbm4b:s11+s4], $0x100, $0x38;
	[tilespmem:$0x1FC80] =	vst v63  }
0x1a0: {  	_ =	swait.ge [sflag:s13], $0x100  }
0x1a1: {  	[sflag:s13] =	ssyncset.done $0x0  }
0x1a2: {  	[sflag:s13] =	ssyncadd.s32 $0xFFFFFF00  }
0x1a3: {  	[tilespmem:s28], [sflag:$0x6] =	stream.indirect.gather [hbm4b:s1+s26], $0x80, s4, s26, $0xb8;
	[tilespmem:$0x1FC80] =	vst v63  }
0x1a4: {  	_ =	swait.ge [sflag:s14], $0x4000  }
0x1a5: {  	[sflag:s14] =	ssyncset.done $0x0  }
0x1a6: {  	[sflag:s14] =	ssyncadd.s32 $0xFFFFC000  }
0x1a7: {  	[spmem:s3] =	stream.indirect.scatter.add.f32 [tilespmem:s0], [sflag:$0xA], $0x80, s15, s26, $0xb8;
	[tilespmem:$0x1FC80] =	vst v63  }
0x1a8: {  	_ =	swait.ge [sflag:s16], $0x4000  }
0x1a9: {  	s22 =	smin.u32 s21, $0x3B;
	s11 =	rddreg [dreg:$0x5]  }
0x1aa: {  	s11 =	sadd.s32 s22, s11  }
0x1ab: {  	[sflag:s16] =	ssyncset.done $0x0;
	s11 =	sshll.u32 s11, $0x5  }
0x1ac: {  	[sflag:s16] =	ssyncadd.s32 $0xFFFFC000;
	s11 =	sadd.s32 s2, s11  }
0x1ad: {  	[tilespmem:s29], [sflag:$0x3] =	stream.linear.gather [hbm4b:s11+s4], $0x100, $0x38;
	[tilespmem:$0x1FC80] =	vst v63  }
0x1ae: {  	_ =	swait.ge [sflag:s17], $0x100  }
0x1af: {  	p2 =	sne.s32 s20, $0x780;
	[sflag:s17] =	ssyncset.done $0x0  }
.Ltmp1:
0x1b0: {  	[sflag:s17] =	ssyncadd.s32 $0xFFFFFF00;
	(pc) =	sbr.rel @p2 .LBB2_4-.Ltmp1, $4  }
0x1b1: {  	[tilespmem:s0], [sflag:$0x7] =	stream.indirect.gather [hbm4b:s1+s26], $0x80, s25, s26, $0xb8;
	[tilespmem:$0x1FC80] =	vst v63  }
0x1b2: {  	_ =	swait.ge [sflag:s5], $0x4000  }
0x1b3: {  	[sflag:s5] =	ssyncset.done $0x0  }
0x1b4: {  	s20 =	sadd.s32 $0x180, s20;
	s21 =	sadd.s32 $0xC, s21;
	[sflag:s5] =	ssyncadd.s32 $0xFFFFC000  }
0x1b5: {  	[spmem:s3] =	stream.indirect.scatter.add.f32 [tilespmem:s23], [sflag:$0x8], $0x80, s18, s26, $0xb8;
	[tilespmem:$0x1FC80] =	vst v63  }
0x1b6: {  	_ =	swait.ge [sflag:s7], $0x4000  }
0x1b7: {  	[sflag:s7] =	ssyncset.done $0x0  }
0x1b8: {  	[sflag:s7] =	ssyncadd.s32 $0xFFFFC000  }
0x1b9: {  	_ =	swait.ge [sflag:s9], $0x4000  }
0x1ba: {  	[sflag:s9] =	ssyncset.done $0x0  }
0x1bb: {  	[sflag:s9] =	ssyncadd.s32 $0xFFFFC000  }
0x1bc: {  	[spmem:s3] =	stream.indirect.scatter.add.f32 [tilespmem:s28], [sflag:$0x9], $0x80, s26, s26, $0xb8;
	[tilespmem:$0x1FC80] =	vst v63  }
0x1bd: {  	_ =	swait.ge [sflag:s12], $0x4000  }
0x1be: {  	[sflag:s12] =	ssyncset.done $0x0  }
0x1bf: {  	[sflag:s12] =	ssyncadd.s32 $0xFFFFC000  }
0x1c0: {  	_ =	swait.ge [sflag:s14], $0x4000  }
0x1c1: {  	[sflag:s14] =	ssyncset.done $0x0  }
0x1c2: {  	[sflag:s14] =	ssyncadd.s32 $0xFFFFC000  }
0x1c3: {  	[spmem:s3] =	stream.indirect.scatter.add.f32 [tilespmem:s0], [sflag:$0xA], $0x80, s10, s26, $0xb8;
	[tilespmem:$0x1FC80] =	vst v63  }
0x1c4: {  	_ =	swait.ge [sflag:s16], $0x4000  }
0x1c5: {  	[sflag:s16] =	ssyncset.done $0x0  }
0x1c6: {  	[sflag:s16] =	ssyncadd.s32 $0xFFFFC000  }
0x1c7: {  	_ =	swait.ge [sflag:s31], $0x100  }
0x1c8: {  	[sflag:s31] =	ssyncset.done $0x0  }
0x1c9: {  	s11 =	simm.s32 @!p1 $0x0;
	s20 =	rddreg [dreg:$0x1d];
	[sflag:s31] =	ssyncadd.s32 $0xFFFFFF00  }
0x1ca: {  	[tilespmem:s11], [sflag:$0xC] =	stream.linear.gather @!p1 [hbm4b:s20+s11], $0x100, $0x38;
	[tilespmem:$0x1FC80] =	vst v63  }
0x1cb: {  	s20 =	simm.s32 @!p1 $0xC  }
0x1cc: {  	_ =	swait.ge @!p1 [sflag:s20], $0x100  }
0x1cd: {  	[sflag:s20] =	ssyncset.done @!p1 $0x0  }
0x1ce: {  	s21 =	simm.s32 @!p1 $0x80;
	s22 =	simm.s32 @!p1 $0x400;
	[sflag:s20] =	ssyncadd.s32 @!p1 $0xFFFFFF00  }
0x1cf: {  	[tilespmem:s22], [sflag:$0xB] =	stream.indirect.gather @!p1 [hbm4b:s1+s21], $0x80, s11, s21, $0xb8;
	[tilespmem:$0x1FC80] =	vst v63  }
0x1d0: {  	s11 =	simm.s32 @!p1 $0xB  }
0x1d1: {  	_ =	swait.ge @!p1 [sflag:s11], $0x4000  }
0x1d2: {  	[sflag:s11] =	ssyncset.done @!p1 $0x0  }
0x1d3: {  	[sflag:s11] =	ssyncadd.s32 @!p1 $0xFFFFC000  }
0x1d4: {  	[spmem:s3] =	stream.indirect.scatter.add.f32 @!p1 [tilespmem:s22], [sflag:$0xC], $0x80, s21, s21, $0xb8;
	[tilespmem:$0x1FC80] =	vst v63  }
0x1d5: {  	_ =	swait.ge @!p1 [sflag:s20], $0x4000  }
0x1d6: {  	[sflag:s20] =	ssyncset.done @!p1 $0x0  }
0x1d7: {  	[sflag:s20] =	ssyncadd.s32 @!p1 $0xFFFFC000  }
0x1d8: {  	s20 =	stileid.u32;
	[bflag:$0x0] =	sbarrier.arrive $0xFFFF  }
0x1d9: {  	s11 =	sshll.u32 s20, $0x6;
	s21 =	rddreg [dreg:$0x15]  }
0x1da: {  	s11 =	sor.u32 $0x1C0C, s11;
	s22 =	rddreg [dreg:$0x1e];
	s20 =	sshrl.u32 s21, $0x3  }
0x1db: {  	[hbm:s22], [sflag:s11] =	dma.local [spmem:s20], $0x2700  }
0x1dc: {  	_ =	swait.ge [sflag:s24], $0x2700  }
0x1dd: {  	s22 =	smov.u32 s6;
	[sflag:s24] =	ssyncset.done $0x0  }
0x1de: {  	s20 =	sshrl.u32 @!p0 s6, $0x3;
	s6 =	rddreg [dreg:$0x1f];
	[sflag:s24] =	ssyncadd.s32 $0xFFFFD900  }
0x1df: {  	[hbm:s6], [sflag:s11] =	dma.local @!p0 [spmem:s20], $0x100  }
0x1e0: {  	s11 =	simm.s32 @!p0 $0xC  }
0x1e1: {  	_ =	swait.ge @!p0 [sflag:s11], $0x100  }
0x1e2: {  	s21 =	sld [smem:$0x7FD];
	_ =	sdelay $0x1  }
0x1e3: {  	s19 =	sadd.s32 $0x1, s19  }
0x1e4: {  	p2 =	sne.s32 s19, s21  }
.Ltmp2:
0x1e5: {  	_ = 	snop;
	(pc) =	sbr.rel @p2 .LBB2_1-.Ltmp2, $3  }
0x1e6: {  	_ =	sdelay $0x1  }
0x1e7: {  	[sflag:s11] =	ssyncset.done @!p0 $0x0  }
0x1e8: {  	[sflag:s11] =	ssyncadd.s32 @!p0 $0xFFFFFF00  }
0x1e9: {  	_ =	sfence.sel $0x180000  }
0x1ea: {  	[bflag:$0x0] =	sbarrier.arrive $0xFFFF  }
0x1eb: {  	_ =	strace $0x90000047  }
0x1ec: {  	[bflag:$0x2] =	sbarrier.arrive $0xFFFF  }
0x1ed: {  	s0 =	rddreg [dreg:$0x4]  }
0x1ee: {  	s0 =	sadd.s32 @!p0 $0x100000, s0  }
0x1ef: {  	[sflag:s0] =	ssyncadd.tile.s32 @!p0 $0x1;
	_ =	shalt  }
.Lfunc_end2:
_tile_overlayer_lowered:
.L_overlay_start_2:
0x1f0: {  	(tag) =	ssettag $0x2  }
0x1f1: {  	s0 =	rddreg [dreg:$0x0];
	s2 =	stileid.u32  }
0x1f2: {  	s1 =	rddreg [dreg:$0x1];
	p0 =	sne.s32 s2, $0x0  }
0x1f3: {  	s3 =	rddreg [dreg:$0x2];
	[bflag:$0x3] =	sbarrier.arrive $0xFFFF;
	s2 =	simm.s32 @!p0 $0x1C0C  }
0x1f4: {  	[timem:s3], [sflag:s2] =	dma.local @!p0 [hbm:s0], s1  }
0x1f5: {  	s0 =	simm.s32 @!p0 $0xC  }
0x1f6: {  	_ =	swait.ge @!p0 [sflag:s0], s1  }
0x1f7: {  	s1 =	ssub.s32 @!p0 $0x0, s1;
	[sflag:s0] =	ssyncset.done @!p0 $0x0  }
0x1f8: {  	[sflag:s0] =	ssyncadd.s32 @!p0 s1  }
0x1f9: {  	[bflag:$0x3] =	sbarrier.arrive $0xFFFF  }
0x1fa: {  	_ =	shalt  }

</sc_bundles>
